<compile_context>
chip_gen: v7x
topology: tpu7x:2x2x1
jax: 0.10.2.dev20260603
libtpu: 0.0.44.dev20260713+nightly
codegen_flags: <defaults>
</compile_context>

<pallas_src>
import functools

import jax
import jax.numpy as jnp
from jax import lax
from jax.experimental import pallas as pl
from jax.experimental.pallas import tpu as pltpu
from jax.experimental.pallas import tpu_sc as plsc

_NC = 2
_NS = 16
_C = 128
_BR = 256
_BE = 512


def _sc_mesh():
    return plsc.VectorSubcoreMesh(core_axis_name="c", subcore_axis_name="s")


def _build_deg(EP, NP):
    rpt = NP // _NS
    ept = EP // (_NC * _NS)
    nch = ept // _C

    @functools.partial(
        pl.kernel,
        out_type=jax.ShapeDtypeStruct((_NC, NP), jnp.float32),
        mesh=_sc_mesh(),
        scratch_types=[
            pltpu.VMEM((_C,), jnp.int32),
            pltpu.VMEM((_C,), jnp.float32),
            pltpu.VMEM_SHARED((NP,), jnp.float32),
        ],
    )
    def k(dst_hbm, ones_hbm, zcol_hbm, out_hbm, didx, ones_v, acc):
        c = lax.axis_index("c")
        s = lax.axis_index("s")
        r0 = s * rpt
        pltpu.sync_copy(zcol_hbm.at[pl.ds(r0, rpt)], acc.at[pl.ds(r0, rpt)])
        pltpu.sync_copy(ones_hbm, ones_v)
        plsc.subcore_barrier()
        t0 = (c * _NS + s) * ept

        def body(i, carry):
            eb = t0 + i * _C
            pltpu.sync_copy(dst_hbm.at[pl.ds(eb, _C)], didx)
            pltpu.sync_copy(ones_v, acc.at[didx], add=True)
            return carry

        lax.fori_loop(0, nch, body, 0)
        plsc.subcore_barrier()
        pltpu.sync_copy(acc.at[pl.ds(r0, rpt)], out_hbm.at[c, pl.ds(r0, rpt)])

    return k


def _build_agg_edge_split(EP, NP, F):
    rpt = NP // _NS
    ept = EP // (_NC * _NS)
    nch = ept // _C

    @functools.partial(
        pl.kernel,
        out_type=jax.ShapeDtypeStruct((_NC, NP, F), jnp.float32),
        mesh=_sc_mesh(),
        scratch_types=[
            pltpu.VMEM((_C,), jnp.int32),
            pltpu.VMEM((_C,), jnp.int32),
            pltpu.VMEM((_C, F), jnp.float32),
            pltpu.SemaphoreType.DMA,
            pltpu.VMEM_SHARED((NP, F), jnp.float32),
        ],
    )
    def k(src_hbm, dst_hbm, z_hbm, zeros_hbm, out_hbm, sidx, didx, rows, sem, acc):
        c = lax.axis_index("c")
        s = lax.axis_index("s")
        r0 = s * rpt

        @pl.when(c == 0)
        def _():
            pltpu.sync_copy(z_hbm.at[pl.ds(r0, rpt)], acc.at[pl.ds(r0, rpt)])

        @pl.when(c == 1)
        def _():
            pltpu.sync_copy(zeros_hbm.at[pl.ds(r0, rpt)], acc.at[pl.ds(r0, rpt)])

        plsc.subcore_barrier()
        t0 = (c * _NS + s) * ept

        def body(i, carry):
            eb = t0 + i * _C
            pltpu.sync_copy(src_hbm.at[pl.ds(eb, _C)], sidx)
            pltpu.sync_copy(dst_hbm.at[pl.ds(eb, _C)], didx)
            pltpu.async_copy(z_hbm.at[sidx], rows, sem).wait()
            pltpu.sync_copy(rows, acc.at[didx], add=True)
            return carry

        lax.fori_loop(0, nch, body, 0)
        plsc.subcore_barrier()
        pltpu.sync_copy(acc.at[pl.ds(r0, rpt)], out_hbm.at[c, pl.ds(r0, rpt)])

    return k


def _build_agg_feat_split(EP, NP, F):
    rpt = NP // _NS
    ept = EP // _NS
    nch = ept // _C

    @functools.partial(
        pl.kernel,
        out_type=jax.ShapeDtypeStruct((_NC, NP, F), jnp.float32),
        mesh=_sc_mesh(),
        scratch_types=[
            pltpu.VMEM((_C,), jnp.int32),
            pltpu.VMEM((_C,), jnp.int32),
            pltpu.VMEM((_C, F), jnp.float32),
            pltpu.SemaphoreType.DMA,
            pltpu.VMEM_SHARED((NP, F), jnp.float32),
        ],
    )
    def k(src_hbm, dst_hbm, za_hbm, zb_hbm, out_hbm, sidx, didx, rows, sem, acc):
        c = lax.axis_index("c")
        s = lax.axis_index("s")
        r0 = s * rpt

        def init(table):
            pltpu.sync_copy(table.at[pl.ds(r0, rpt)], acc.at[pl.ds(r0, rpt)])

        pl.when(c == 0)(lambda: init(za_hbm))
        pl.when(c == 1)(lambda: init(zb_hbm))
        plsc.subcore_barrier()
        t0 = s * ept

        def pipe(table):
            def body(i, carry):
                eb = t0 + i * _C
                pltpu.sync_copy(src_hbm.at[pl.ds(eb, _C)], sidx)
                pltpu.sync_copy(dst_hbm.at[pl.ds(eb, _C)], didx)
                pltpu.async_copy(table.at[sidx], rows, sem).wait()
                pltpu.sync_copy(rows, acc.at[didx], add=True)
                return carry

            lax.fori_loop(0, nch, body, 0)

        pl.when(c == 0)(lambda: pipe(za_hbm))
        pl.when(c == 1)(lambda: pipe(zb_hbm))
        plsc.subcore_barrier()
        pltpu.sync_copy(acc.at[pl.ds(r0, rpt)], out_hbm.at[c, pl.ds(r0, rpt)])

    return k


def _build_q(EP, NP, F):
    ept = EP // _NS
    nch = ept // _C

    @functools.partial(
        pl.kernel,
        out_type=jax.ShapeDtypeStruct((_NC, EP, F), jnp.float32),
        mesh=_sc_mesh(),
        scratch_types=[
            pltpu.VMEM((_C,), jnp.int32),
            pltpu.VMEM((_C,), jnp.int32),
            pltpu.VMEM((_C, F), jnp.float32),
            pltpu.SemaphoreType.DMA,
        ],
    )
    def k(src_hbm, dst_hbm, aa, ab, ba, bb, out_hbm, sidx, didx, rows, sem):
        c = lax.axis_index("c")
        s = lax.axis_index("s")
        t0 = s * ept

        def pipe(ta, tb):
            def body(i, carry):
                eb = t0 + i * _C
                pltpu.sync_copy(src_hbm.at[pl.ds(eb, _C)], sidx)
                pltpu.sync_copy(dst_hbm.at[pl.ds(eb, _C)], didx)
                pltpu.async_copy(ta.at[sidx], rows, sem).wait()
                pltpu.async_copy(tb.at[didx], rows, sem, add=True).wait()
                pltpu.sync_copy(rows, out_hbm.at[c, pl.ds(eb, _C)])
                return carry

            lax.fori_loop(0, nch, body, 0)

        pl.when(c == 0)(lambda: pipe(aa, ba))
        pl.when(c == 1)(lambda: pipe(ab, bb))

    return k


def _node1(x_p, W1, parts):
    NP, D = x_p.shape
    H = W1.shape[1]
    grid = (NP // _BR,)

    def body(x_ref, w_ref, p_ref, z_ref, dinv_ref):
        deg = 1.0 + p_ref[0, :] + p_ref[1, :]
        dinv = lax.rsqrt(deg)
        z = jnp.dot(x_ref[...], w_ref[...], preferred_element_type=jnp.float32)
        z_ref[...] = z * dinv[:, None]
        dinv_ref[...] = dinv[:, None]

    return pl.pallas_call(
        body,
        grid=grid,
        in_specs=[
            pl.BlockSpec((_BR, D), lambda i: (i, 0)),
            pl.BlockSpec((D, H), lambda i: (0, 0)),
            pl.BlockSpec((2, _BR), lambda i: (0, i)),
        ],
        out_specs=[
            pl.BlockSpec((_BR, H), lambda i: (i, 0)),
            pl.BlockSpec((_BR, 1), lambda i: (i, 0)),
        ],
        out_shape=[
            jax.ShapeDtypeStruct((NP, H), jnp.float32),
            jax.ShapeDtypeStruct((NP, 1), jnp.float32),
        ],
    )(x_p, W1, parts)


def _node2(agg1, dinv, b1, W2):
    _, NP, H = agg1.shape
    H2 = W2.shape[1]
    Fh = H2 // 2
    grid = (NP // _BR,)

    def body(agg_ref, dinv_ref, b_ref, w_ref, za_ref, zb_ref):
        dv = dinv_ref[...]
        h1 = jnp.maximum(dv * (agg_ref[0] + agg_ref[1]) + b_ref[...], 0.0)
        z2 = jnp.dot(h1, w_ref[...], preferred_element_type=jnp.float32) * dv
        za_ref[...] = z2[:, :Fh]
        zb_ref[...] = z2[:, Fh:]

    return pl.pallas_call(
        body,
        grid=grid,
        in_specs=[
            pl.BlockSpec((2, _BR, H), lambda i: (0, i, 0)),
            pl.BlockSpec((_BR, 1), lambda i: (i, 0)),
            pl.BlockSpec((1, H), lambda i: (0, 0)),
            pl.BlockSpec((H, H2), lambda i: (0, 0)),
        ],
        out_specs=[
            pl.BlockSpec((_BR, Fh), lambda i: (i, 0)),
            pl.BlockSpec((_BR, Fh), lambda i: (i, 0)),
        ],
        out_shape=[
            jax.ShapeDtypeStruct((NP, Fh), jnp.float32),
            jax.ShapeDtypeStruct((NP, Fh), jnp.float32),
        ],
    )(agg1, dinv, b1, W2)


def _node3(agg2, dinv, b2, Wc1a, Wc1b):
    _, NP, Fh = agg2.shape
    H2 = 2 * Fh
    K = Wc1a.shape[1]
    Kh = K // 2
    grid = (NP // _BR,)

    def body(agg_ref, dinv_ref, b_ref, wa_ref, wb_ref, aa, ab, ba, bb):
        dv = dinv_ref[...]
        cat = jnp.concatenate([agg_ref[0], agg_ref[1]], axis=1)
        h2 = jnp.maximum(dv * cat + b_ref[...], 0.0)
        A = jnp.dot(h2, wa_ref[...], preferred_element_type=jnp.float32)
        B = jnp.dot(h2, wb_ref[...], preferred_element_type=jnp.float32)
        aa[...] = A[:, :Kh]
        ab[...] = A[:, Kh:]
        ba[...] = B[:, :Kh]
        bb[...] = B[:, Kh:]

    outs = [jax.ShapeDtypeStruct((NP, Kh), jnp.float32)] * 4
    return pl.pallas_call(
        body,
        grid=grid,
        in_specs=[
            pl.BlockSpec((2, _BR, Fh), lambda i: (0, i, 0)),
            pl.BlockSpec((_BR, 1), lambda i: (i, 0)),
            pl.BlockSpec((1, H2), lambda i: (0, 0)),
            pl.BlockSpec((H2, K), lambda i: (0, 0)),
            pl.BlockSpec((H2, K), lambda i: (0, 0)),
        ],
        out_specs=[pl.BlockSpec((_BR, Kh), lambda i: (i, 0))] * 4,
        out_shape=outs,
    )(agg2, dinv, b2, Wc1a, Wc1b)


def _mlp(q, ea, Wt, bc1, Wc2, bc2, Wc3, bc3, Wc4, bc4, E):
    _, EP, Fh = q.shape
    K1 = 2 * Fh
    K2 = Wc2.shape[1]
    K3 = Wc3.shape[1]
    grid = (E // _BE,)

    def body(q_ref, ea_ref, wt_ref, b1_ref, w2_ref, b2_ref, w3_ref, b3_ref,
             w4_ref, b4_ref, o_ref):
        z = jnp.concatenate([q_ref[0], q_ref[1]], axis=1)
        eav = ea_ref[...]
        z = z + eav[:, 0:1] * wt_ref[0:1, :] + eav[:, 1:2] * wt_ref[1:2, :]
        z = jnp.maximum(z + b1_ref[...], 0.0)
        z = jnp.maximum(
            jnp.dot(z, w2_ref[...], preferred_element_type=jnp.float32)
            + b2_ref[...], 0.0)
        z = jnp.maximum(
            jnp.dot(z, w3_ref[...], preferred_element_type=jnp.float32)
            + b3_ref[...], 0.0)
        lg = (jnp.dot(z, w4_ref[...], preferred_element_type=jnp.float32)
              + b4_ref[...]) * (1.0 / 1.5)
        o_ref[...] = 1.0 / (1.0 + jnp.exp(-lg))

    return pl.pallas_call(
        body,
        grid=grid,
        in_specs=[
            pl.BlockSpec((2, _BE, Fh), lambda i: (0, i, 0)),
            pl.BlockSpec((_BE, 2), lambda i: (i, 0)),
            pl.BlockSpec((2, K1), lambda i: (0, 0)),
            pl.BlockSpec((1, K1), lambda i: (0, 0)),
            pl.BlockSpec((K1, K2), lambda i: (0, 0)),
            pl.BlockSpec((1, K2), lambda i: (0, 0)),
            pl.BlockSpec((K2, K3), lambda i: (0, 0)),
            pl.BlockSpec((1, K3), lambda i: (0, 0)),
            pl.BlockSpec((K3, 1), lambda i: (0, 0)),
            pl.BlockSpec((1, 1), lambda i: (0, 0)),
        ],
        out_specs=pl.BlockSpec((_BE, 1), lambda i: (i, 0)),
        out_shape=jax.ShapeDtypeStruct((E, 1), jnp.float32),
    )(q, ea, Wt, bc1, Wc2, bc2, Wc3, bc3, Wc4, bc4)


def kernel(x, edge_index, edge_attr, W1, b1, W2, b2, Wc1, bc1, Wc2, bc2,
           Wc3, bc3, Wc4, bc4):
    N, D = x.shape
    E = edge_index.shape[1]
    H = W1.shape[1]
    H2 = W2.shape[1]

    NP = -(-N // 2560) * 2560
    EPE = _NC * _NS * _C
    EP = -(-E // EPE) * EPE

    src = edge_index[0]
    dst = edge_index[1]
    pad_idx = jnp.int32(NP - 1)
    src_p = jnp.pad(src, (0, EP - E), constant_values=pad_idx)
    dst_p = jnp.pad(dst, (0, EP - E), constant_values=pad_idx)
    x_p = jnp.pad(x, ((0, NP - N), (0, 0)))

    ones = jnp.ones((_C,), jnp.float32)
    zcol = jnp.zeros((NP,), jnp.float32)
    zbig = jnp.zeros((NP, H), jnp.float32)

    parts = _build_deg(EP, NP)(dst_p, ones, zcol)
    z1, dinv = _node1(x_p, W1, parts)
    agg1 = _build_agg_edge_split(EP, NP, H)(src_p, dst_p, z1, zbig)
    za, zb = _node2(agg1, dinv, b1.reshape(1, -1), W2)
    agg2 = _build_agg_feat_split(EP, NP, H2 // 2)(src_p, dst_p, za, zb)
    Aa, Ab, Ba, Bb = _node3(agg2, dinv, b2.reshape(1, -1),
                            Wc1[:H2], Wc1[H2:2 * H2])
    q = _build_q(EP, NP, H2 // 2)(src_p, dst_p, Aa, Ab, Ba, Bb)
    out = _mlp(q, edge_attr[:, :2], Wc1[2 * H2:], bc1.reshape(1, -1),
               Wc2, bc2.reshape(1, -1), Wc3, bc3.reshape(1, -1),
               Wc4, bc4.reshape(1, -1), E)
    return out

# --- scband reference (transcript-rebuilt; emitter-appended) ---
"""Pipeline reference for scband-gnnanomaly-detector-25340307046609 (READ-ONLY COPY).

The authoritative reference and input builder live on the scoring server;
editing this copy changes nothing except your own understanding.
"""

import jax, jax.numpy as jnp
import numpy as np

N = 10000
E = 320000
D = 128
H = 128
TEMP = 1.5

def _gcn_conv(x, src, dst, W, b):
    n = x.shape[0]
    x = x @ W
    loop = jnp.arange(n, dtype=src.dtype)
    s = jnp.concatenate([src, loop])
    d = jnp.concatenate([dst, loop])
    deg = jnp.zeros((n,), dtype=x.dtype).at[d].add(1.0)
    dinv = jnp.where(deg > 0, deg ** -0.5, 0.0)
    norm = dinv[s] * dinv[d]
    msgs = x[s] * norm[:, None]
    out = jnp.zeros((n, x.shape[1]), dtype=x.dtype).at[d].add(msgs)
    return out + b

def setup_inputs(seed: int = 0):
    key = jax.random.key(seed)
    ks = jax.random.split(key, 12)
    def lin(k, fi, fo):
        k1, k2 = jax.random.split(k)
        lim = 1.0 / np.sqrt(fi)
        W = jax.random.uniform(k1, (fi, fo), minval=-lim, maxval=lim, dtype=jnp.float32)
        b = jax.random.uniform(k2, (fo,), minval=-lim, maxval=lim, dtype=jnp.float32)
        return W, b
    inp = {}
    inp["x"] = jax.random.normal(ks[0], (N, D), dtype=jnp.float32)
    inp["edge_index"] = jax.random.randint(ks[1], (2, E), 0, N, dtype=jnp.int32)
    inp["edge_attr"] = jax.random.normal(ks[2], (E, 4), dtype=jnp.float32)
    inp["W1"], inp["b1"] = lin(ks[3], D, H)
    inp["W2"], inp["b2"] = lin(ks[4], H, 2 * H)
    inp["Wc1"], inp["bc1"] = lin(ks[5], 2 * H * 2 + 2, 2 * H)
    inp["Wc2"], inp["bc2"] = lin(ks[6], 2 * H, H)
    inp["Wc3"], inp["bc3"] = lin(ks[7], H, 64)
    inp["Wc4"], inp["bc4"] = lin(ks[8], 64, 1)
    return inp

def reference(x, edge_index, edge_attr, W1, b1, W2, b2, Wc1, bc1, Wc2, bc2, Wc3, bc3, Wc4, bc4):
    src, dst = edge_index[0], edge_index[1]
    h = jax.nn.relu(_gcn_conv(x, src, dst, W1, b1))
    h = jax.nn.relu(_gcn_conv(h, src, dst, W2, b2))
    ei = jnp.concatenate([h[src], h[dst], edge_attr[:, :2]], axis=1)
    z = jax.nn.relu(ei @ Wc1 + bc1)
    z = jax.nn.relu(z @ Wc2 + bc2)
    z = jax.nn.relu(z @ Wc3 + bc3)
    logits = z @ Wc4 + bc4
    return jax.nn.sigmoid(logits / TEMP)

if __name__ == "__main__":
    import jax
    _d = setup_inputs()
    print(jax.jit(kernel)(*tuple(_d.values())))

</pallas_src>

<mosaic_0001>
#map = affine_map<(d0, d1) -> (0)>
#map1 = affine_map<(d0, d1) -> (0, 0)>
#map2 = affine_map<(d0, d1) -> (0, 0, 0)>
module attributes {stable_mosaic.version = 14 : i64} {
  func.func @k(%arg0: i32, %arg1: i32, %arg2: memref<323584xi32, #tpu.memory_space<hbm>>, %arg3: memref<323584xi32, #tpu.memory_space<hbm>>, %arg4: memref<10240x128xf32, #tpu.memory_space<hbm>>, %arg5: memref<10240x128xf32, #tpu.memory_space<hbm>>, %arg6: memref<2x10240x128xf32, #tpu.memory_space<hbm>>, %arg7: memref<128xi32, #tpu.memory_space<vmem>>, %arg8: memref<128xi32, #tpu.memory_space<vmem>>, %arg9: memref<128x128xf32, #tpu.memory_space<vmem>>, %arg10: memref<!tpu.dma_semaphore, #tpu.memory_space<semaphore_mem>>, %arg11: memref<10240x128xf32, #tpu.memory_space<vmem_shared>>) attributes {dimension_semantics = [#tpu.dimension_semantics<core_parallel>, #tpu.dimension_semantics<subcore_parallel>], iteration_bounds = array<i64: 2, 16>, scalar_prefetch = 0 : i64, scratch_operands = 5 : i64, tpu.core_type = #tpu.core_type<sc_vector_subcore>, window_params = [{transform_indices = #map}, {transform_indices = #map}, {transform_indices = #map1}, {transform_indices = #map1}, {transform_indices = #map2}]} {
    %mul3A = arith.constant 640 : i32
    %mul3A_0 = arith.muli %arg1, %mul3A : i32
    %eq3A = arith.constant 0 : i32
    %eq3A_1 = arith.cmpi eq, %arg0, %eq3A : i32
    %convert_element_type3A = arith.extui %eq3A_1 : i1 to i32
    %cond3A = arith.constant 0 : i32
    %cond3A_2 = arith.cmpi ne, %convert_element_type3A, %cond3A : i32
    scf.if %cond3A_2 {
      "tpu.region"() ({
        %run_scoped3A = tpu.sem_alloc : memref<!tpu.dma_semaphore, #tpu.memory_space<semaphore_mem>>
        %dma_start3A = arith.constant 0 : i32
        %dma_start3A_21 = tpu.memref_slice %arg11[%mul3A_0, %dma_start3A] : memref<10240x128xf32, #tpu.memory_space<vmem_shared>> -> memref<640x128xf32, #tpu.memory_space<vmem_shared>>
        %dma_start3A_22 = arith.constant 0 : i32
        %dma_start3A_23 = tpu.memref_slice %arg4[%mul3A_0, %dma_start3A_22] : memref<10240x128xf32, #tpu.memory_space<hbm>> -> memref<640x128xf32, #tpu.memory_space<hbm>>
        tpu.enqueue_dma source(%dma_start3A_23 : memref<640x128xf32, #tpu.memory_space<hbm>>) target(%dma_start3A_21 : memref<640x128xf32, #tpu.memory_space<vmem_shared>>) target_semaphore(%run_scoped3A : memref<!tpu.dma_semaphore, #tpu.memory_space<semaphore_mem>>)
        %dma_wait3A = arith.constant 0 : i32
        %dma_wait3A_24 = tpu.memref_slice %arg11[%mul3A_0, %dma_wait3A] : memref<10240x128xf32, #tpu.memory_space<vmem_shared>> -> memref<640x128xf32, #tpu.memory_space<vmem_shared>>
        %dma_wait3A_25 = arith.constant 0 : i32
        %dma_wait3A_26 = tpu.memref_slice %arg4[%mul3A_0, %dma_wait3A_25] : memref<10240x128xf32, #tpu.memory_space<hbm>> -> memref<640x128xf32, #tpu.memory_space<hbm>>
        tpu.wait_dma2 semaphore(%run_scoped3A : memref<!tpu.dma_semaphore, #tpu.memory_space<semaphore_mem>>) src(%dma_wait3A_26 : memref<640x128xf32, #tpu.memory_space<hbm>>) dst(%dma_wait3A_24 : memref<640x128xf32, #tpu.memory_space<vmem_shared>>)
        tpu.yield
      }) : () -> ()
    } else {
    }
    %eq3A_3 = arith.constant 1 : i32
    %eq3A_4 = arith.cmpi eq, %arg0, %eq3A_3 : i32
    %convert_element_type3A_5 = arith.extui %eq3A_4 : i1 to i32
    %cond3A_6 = arith.constant 0 : i32
    %cond3A_7 = arith.cmpi ne, %convert_element_type3A_5, %cond3A_6 : i32
    scf.if %cond3A_7 {
      "tpu.region"() ({
        %run_scoped3A = tpu.sem_alloc : memref<!tpu.dma_semaphore, #tpu.memory_space<semaphore_mem>>
        %dma_start3A = arith.constant 0 : i32
        %dma_start3A_21 = tpu.memref_slice %arg11[%mul3A_0, %dma_start3A] : memref<10240x128xf32, #tpu.memory_space<vmem_shared>> -> memref<640x128xf32, #tpu.memory_space<vmem_shared>>
        %dma_start3A_22 = arith.constant 0 : i32
        %dma_start3A_23 = tpu.memref_slice %arg5[%mul3A_0, %dma_start3A_22] : memref<10240x128xf32, #tpu.memory_space<hbm>> -> memref<640x128xf32, #tpu.memory_space<hbm>>
        tpu.enqueue_dma source(%dma_start3A_23 : memref<640x128xf32, #tpu.memory_space<hbm>>) target(%dma_start3A_21 : memref<640x128xf32, #tpu.memory_space<vmem_shared>>) target_semaphore(%run_scoped3A : memref<!tpu.dma_semaphore, #tpu.memory_space<semaphore_mem>>)
        %dma_wait3A = arith.constant 0 : i32
        %dma_wait3A_24 = tpu.memref_slice %arg11[%mul3A_0, %dma_wait3A] : memref<10240x128xf32, #tpu.memory_space<vmem_shared>> -> memref<640x128xf32, #tpu.memory_space<vmem_shared>>
        %dma_wait3A_25 = arith.constant 0 : i32
        %dma_wait3A_26 = tpu.memref_slice %arg5[%mul3A_0, %dma_wait3A_25] : memref<10240x128xf32, #tpu.memory_space<hbm>> -> memref<640x128xf32, #tpu.memory_space<hbm>>
        tpu.wait_dma2 semaphore(%run_scoped3A : memref<!tpu.dma_semaphore, #tpu.memory_space<semaphore_mem>>) src(%dma_wait3A_26 : memref<640x128xf32, #tpu.memory_space<hbm>>) dst(%dma_wait3A_24 : memref<640x128xf32, #tpu.memory_space<vmem_shared>>)
        tpu.yield
      }) : () -> ()
    } else {
    }
    %barrier3A = arith.constant 0 : index
    tpu.barrier barrier_id(%barrier3A)
    %mul3A_8 = arith.constant 20224 : i32
    %mul3A_9 = arith.muli %arg1, %mul3A_8 : i32
    %eq3A_10 = arith.constant 0 : i32
    %eq3A_11 = arith.cmpi eq, %arg0, %eq3A_10 : i32
    %convert_element_type3A_12 = arith.extui %eq3A_11 : i1 to i32
    %cond3A_13 = arith.constant 0 : i32
    %cond3A_14 = arith.cmpi ne, %convert_element_type3A_12, %cond3A_13 : i32
    scf.if %cond3A_14 {
      %scan3A = arith.constant 0 : i32
      %scan3A_21 = arith.constant 0 : i32
      %scan3A_22 = arith.constant 158 : i32
      %scan3A_23 = arith.addi %scan3A_21, %scan3A_22 : i32
      %scan3A_24 = arith.constant 1 : i32
      scf.for %scan3A_26 = %scan3A_21 to %scan3A_23 step %scan3A_24  : i32 {
        %mul3A_27 = arith.constant 128 : i32
        %mul3A_28 = arith.muli %scan3A_26, %mul3A_27 : i32
        %add3A = arith.addi %mul3A_9, %mul3A_28 : i32
        "tpu.region"() ({
          %run_scoped3A = tpu.sem_alloc : memref<!tpu.dma_semaphore, #tpu.memory_space<semaphore_mem>>
          %dma_start3A_33 = tpu.memref_slice %arg2[%add3A] : memref<323584xi32, #tpu.memory_space<hbm>> -> memref<128xi32, #tpu.memory_space<hbm>>
          %dma_start3A_34 = tpu.memref_slice %arg2[%add3A] : memref<323584xi32, #tpu.memory_space<hbm>> -> memref<128xi32, #tpu.memory_space<hbm>>
          tpu.enqueue_dma source(%dma_start3A_34 : memref<128xi32, #tpu.memory_space<hbm>>) target(%arg7 : memref<128xi32, #tpu.memory_space<vmem>>) target_semaphore(%run_scoped3A : memref<!tpu.dma_semaphore, #tpu.memory_space<semaphore_mem>>)
          %dma_wait3A_35 = tpu.memref_slice %arg2[%add3A] : memref<323584xi32, #tpu.memory_space<hbm>> -> memref<128xi32, #tpu.memory_space<hbm>>
          %dma_wait3A_36 = tpu.memref_slice %arg2[%add3A] : memref<323584xi32, #tpu.memory_space<hbm>> -> memref<128xi32, #tpu.memory_space<hbm>>
          tpu.wait_dma2 semaphore(%run_scoped3A : memref<!tpu.dma_semaphore, #tpu.memory_space<semaphore_mem>>) src(%dma_wait3A_36 : memref<128xi32, #tpu.memory_space<hbm>>) dst(%arg7 : memref<128xi32, #tpu.memory_space<vmem>>)
          tpu.yield
        }) : () -> ()
        "tpu.region"() ({
          %run_scoped3A = tpu.sem_alloc : memref<!tpu.dma_semaphore, #tpu.memory_space<semaphore_mem>>
          %dma_start3A_33 = tpu.memref_slice %arg3[%add3A] : memref<323584xi32, #tpu.memory_space<hbm>> -> memref<128xi32, #tpu.memory_space<hbm>>
          %dma_start3A_34 = tpu.memref_slice %arg3[%add3A] : memref<323584xi32, #tpu.memory_space<hbm>> -> memref<128xi32, #tpu.memory_space<hbm>>
          tpu.enqueue_dma source(%dma_start3A_34 : memref<128xi32, #tpu.memory_space<hbm>>) target(%arg8 : memref<128xi32, #tpu.memory_space<vmem>>) target_semaphore(%run_scoped3A : memref<!tpu.dma_semaphore, #tpu.memory_space<semaphore_mem>>)
          %dma_wait3A_35 = tpu.memref_slice %arg3[%add3A] : memref<323584xi32, #tpu.memory_space<hbm>> -> memref<128xi32, #tpu.memory_space<hbm>>
          %dma_wait3A_36 = tpu.memref_slice %arg3[%add3A] : memref<323584xi32, #tpu.memory_space<hbm>> -> memref<128xi32, #tpu.memory_space<hbm>>
          tpu.wait_dma2 semaphore(%run_scoped3A : memref<!tpu.dma_semaphore, #tpu.memory_space<semaphore_mem>>) src(%dma_wait3A_36 : memref<128xi32, #tpu.memory_space<hbm>>) dst(%arg8 : memref<128xi32, #tpu.memory_space<vmem>>)
          tpu.yield
        }) : () -> ()
        %dma_start3A = arith.constant 0 : i32
        %dma_start3A_29 = arith.constant 0 : i32
        %dma_start3A_30 = tpu.memref_slice %arg4[%dma_start3A, %dma_start3A_29] : memref<10240x128xf32, #tpu.memory_space<hbm>> -> memref<10240x128xf32, #tpu.memory_space<hbm>>
        tpu.enqueue_indirect_dma source(%dma_start3A_30 : memref<10240x128xf32, #tpu.memory_space<hbm>>) target(%arg9 : memref<128x128xf32, #tpu.memory_space<vmem>>) offsets(%arg7 : memref<128xi32, #tpu.memory_space<vmem>>) semaphore(%arg10 : memref<!tpu.dma_semaphore, #tpu.memory_space<semaphore_mem>>)
        %dma_wait3A = arith.constant 0 : i32
        %dma_wait3A_31 = arith.constant 0 : i32
        %dma_wait3A_32 = tpu.memref_slice %arg4[%dma_wait3A, %dma_wait3A_31] : memref<10240x128xf32, #tpu.memory_space<hbm>> -> memref<10240x128xf32, #tpu.memory_space<hbm>>
        tpu.wait_indirect_dma semaphore(%arg10 : memref<!tpu.dma_semaphore, #tpu.memory_space<semaphore_mem>>) src(%dma_wait3A_32 : memref<10240x128xf32, #tpu.memory_space<hbm>>) dst(%arg9 : memref<128x128xf32, #tpu.memory_space<vmem>>)
        "tpu.region"() ({
          %run_scoped3A = tpu.sem_alloc : memref<!tpu.dma_semaphore, #tpu.memory_space<semaphore_mem>>
          %dma_start3A_33 = arith.constant 0 : i32
          %dma_start3A_34 = arith.constant 0 : i32
          %dma_start3A_35 = tpu.memref_slice %arg11[%dma_start3A_33, %dma_start3A_34] : memref<10240x128xf32, #tpu.memory_space<vmem_shared>> -> memref<10240x128xf32, #tpu.memory_space<vmem_shared>>
          tpu.enqueue_indirect_dma source(%arg9 : memref<128x128xf32, #tpu.memory_space<vmem>>) target(%dma_start3A_35 : memref<10240x128xf32, #tpu.memory_space<vmem_shared>>) offsets(%arg8 : memref<128xi32, #tpu.memory_space<vmem>>) semaphore(%run_scoped3A : memref<!tpu.dma_semaphore, #tpu.memory_space<semaphore_mem>>) {add = true}
          %dma_wait3A_36 = arith.constant 0 : i32
          %dma_wait3A_37 = arith.constant 0 : i32
          %dma_wait3A_38 = tpu.memref_slice %arg11[%dma_wait3A_36, %dma_wait3A_37] : memref<10240x128xf32, #tpu.memory_space<vmem_shared>> -> memref<10240x128xf32, #tpu.memory_space<vmem_shared>>
          tpu.wait_indirect_dma semaphore(%run_scoped3A : memref<!tpu.dma_semaphore, #tpu.memory_space<semaphore_mem>>) src(%arg9 : memref<128x128xf32, #tpu.memory_space<vmem>>) dst(%dma_wait3A_38 : memref<10240x128xf32, #tpu.memory_space<vmem_shared>>)
          tpu.yield
        }) : () -> ()
      }
      %scan3A_25 = arith.constant 158 : i32
    } else {
    }
    %eq3A_15 = arith.constant 1 : i32
    %eq3A_16 = arith.cmpi eq, %arg0, %eq3A_15 : i32
    %convert_element_type3A_17 = arith.extui %eq3A_16 : i1 to i32
    %cond3A_18 = arith.constant 0 : i32
    %cond3A_19 = arith.cmpi ne, %convert_element_type3A_17, %cond3A_18 : i32
    scf.if %cond3A_19 {
      %scan3A = arith.constant 0 : i32
      %scan3A_21 = arith.constant 0 : i32
      %scan3A_22 = arith.constant 158 : i32
      %scan3A_23 = arith.addi %scan3A_21, %scan3A_22 : i32
      %scan3A_24 = arith.constant 1 : i32
      scf.for %scan3A_26 = %scan3A_21 to %scan3A_23 step %scan3A_24  : i32 {
        %mul3A_27 = arith.constant 128 : i32
        %mul3A_28 = arith.muli %scan3A_26, %mul3A_27 : i32
        %add3A = arith.addi %mul3A_9, %mul3A_28 : i32
        "tpu.region"() ({
          %run_scoped3A = tpu.sem_alloc : memref<!tpu.dma_semaphore, #tpu.memory_space<semaphore_mem>>
          %dma_start3A_33 = tpu.memref_slice %arg2[%add3A] : memref<323584xi32, #tpu.memory_space<hbm>> -> memref<128xi32, #tpu.memory_space<hbm>>
          %dma_start3A_34 = tpu.memref_slice %arg2[%add3A] : memref<323584xi32, #tpu.memory_space<hbm>> -> memref<128xi32, #tpu.memory_space<hbm>>
          tpu.enqueue_dma source(%dma_start3A_34 : memref<128xi32, #tpu.memory_space<hbm>>) target(%arg7 : memref<128xi32, #tpu.memory_space<vmem>>) target_semaphore(%run_scoped3A : memref<!tpu.dma_semaphore, #tpu.memory_space<semaphore_mem>>)
          %dma_wait3A_35 = tpu.memref_slice %arg2[%add3A] : memref<323584xi32, #tpu.memory_space<hbm>> -> memref<128xi32, #tpu.memory_space<hbm>>
          %dma_wait3A_36 = tpu.memref_slice %arg2[%add3A] : memref<323584xi32, #tpu.memory_space<hbm>> -> memref<128xi32, #tpu.memory_space<hbm>>
          tpu.wait_dma2 semaphore(%run_scoped3A : memref<!tpu.dma_semaphore, #tpu.memory_space<semaphore_mem>>) src(%dma_wait3A_36 : memref<128xi32, #tpu.memory_space<hbm>>) dst(%arg7 : memref<128xi32, #tpu.memory_space<vmem>>)
          tpu.yield
        }) : () -> ()
        "tpu.region"() ({
          %run_scoped3A = tpu.sem_alloc : memref<!tpu.dma_semaphore, #tpu.memory_space<semaphore_mem>>
          %dma_start3A_33 = tpu.memref_slice %arg3[%add3A] : memref<323584xi32, #tpu.memory_space<hbm>> -> memref<128xi32, #tpu.memory_space<hbm>>
          %dma_start3A_34 = tpu.memref_slice %arg3[%add3A] : memref<323584xi32, #tpu.memory_space<hbm>> -> memref<128xi32, #tpu.memory_space<hbm>>
          tpu.enqueue_dma source(%dma_start3A_34 : memref<128xi32, #tpu.memory_space<hbm>>) target(%arg8 : memref<128xi32, #tpu.memory_space<vmem>>) target_semaphore(%run_scoped3A : memref<!tpu.dma_semaphore, #tpu.memory_space<semaphore_mem>>)
          %dma_wait3A_35 = tpu.memref_slice %arg3[%add3A] : memref<323584xi32, #tpu.memory_space<hbm>> -> memref<128xi32, #tpu.memory_space<hbm>>
          %dma_wait3A_36 = tpu.memref_slice %arg3[%add3A] : memref<323584xi32, #tpu.memory_space<hbm>> -> memref<128xi32, #tpu.memory_space<hbm>>
          tpu.wait_dma2 semaphore(%run_scoped3A : memref<!tpu.dma_semaphore, #tpu.memory_space<semaphore_mem>>) src(%dma_wait3A_36 : memref<128xi32, #tpu.memory_space<hbm>>) dst(%arg8 : memref<128xi32, #tpu.memory_space<vmem>>)
          tpu.yield
        }) : () -> ()
        %dma_start3A = arith.constant 0 : i32
        %dma_start3A_29 = arith.constant 0 : i32
        %dma_start3A_30 = tpu.memref_slice %arg5[%dma_start3A, %dma_start3A_29] : memref<10240x128xf32, #tpu.memory_space<hbm>> -> memref<10240x128xf32, #tpu.memory_space<hbm>>
        tpu.enqueue_indirect_dma source(%dma_start3A_30 : memref<10240x128xf32, #tpu.memory_space<hbm>>) target(%arg9 : memref<128x128xf32, #tpu.memory_space<vmem>>) offsets(%arg7 : memref<128xi32, #tpu.memory_space<vmem>>) semaphore(%arg10 : memref<!tpu.dma_semaphore, #tpu.memory_space<semaphore_mem>>)
        %dma_wait3A = arith.constant 0 : i32
        %dma_wait3A_31 = arith.constant 0 : i32
        %dma_wait3A_32 = tpu.memref_slice %arg5[%dma_wait3A, %dma_wait3A_31] : memref<10240x128xf32, #tpu.memory_space<hbm>> -> memref<10240x128xf32, #tpu.memory_space<hbm>>
        tpu.wait_indirect_dma semaphore(%arg10 : memref<!tpu.dma_semaphore, #tpu.memory_space<semaphore_mem>>) src(%dma_wait3A_32 : memref<10240x128xf32, #tpu.memory_space<hbm>>) dst(%arg9 : memref<128x128xf32, #tpu.memory_space<vmem>>)
        "tpu.region"() ({
          %run_scoped3A = tpu.sem_alloc : memref<!tpu.dma_semaphore, #tpu.memory_space<semaphore_mem>>
          %dma_start3A_33 = arith.constant 0 : i32
          %dma_start3A_34 = arith.constant 0 : i32
          %dma_start3A_35 = tpu.memref_slice %arg11[%dma_start3A_33, %dma_start3A_34] : memref<10240x128xf32, #tpu.memory_space<vmem_shared>> -> memref<10240x128xf32, #tpu.memory_space<vmem_shared>>
          tpu.enqueue_indirect_dma source(%arg9 : memref<128x128xf32, #tpu.memory_space<vmem>>) target(%dma_start3A_35 : memref<10240x128xf32, #tpu.memory_space<vmem_shared>>) offsets(%arg8 : memref<128xi32, #tpu.memory_space<vmem>>) semaphore(%run_scoped3A : memref<!tpu.dma_semaphore, #tpu.memory_space<semaphore_mem>>) {add = true}
          %dma_wait3A_36 = arith.constant 0 : i32
          %dma_wait3A_37 = arith.constant 0 : i32
          %dma_wait3A_38 = tpu.memref_slice %arg11[%dma_wait3A_36, %dma_wait3A_37] : memref<10240x128xf32, #tpu.memory_space<vmem_shared>> -> memref<10240x128xf32, #tpu.memory_space<vmem_shared>>
          tpu.wait_indirect_dma semaphore(%run_scoped3A : memref<!tpu.dma_semaphore, #tpu.memory_space<semaphore_mem>>) src(%arg9 : memref<128x128xf32, #tpu.memory_space<vmem>>) dst(%dma_wait3A_38 : memref<10240x128xf32, #tpu.memory_space<vmem_shared>>)
          tpu.yield
        }) : () -> ()
      }
      %scan3A_25 = arith.constant 158 : i32
    } else {
    }
    %barrier3A_20 = arith.constant 0 : index
    tpu.barrier barrier_id(%barrier3A_20)
    "tpu.region"() ({
      %run_scoped3A = tpu.sem_alloc : memref<!tpu.dma_semaphore, #tpu.memory_space<semaphore_mem>>
      %dma_start3A = arith.constant 0 : i32
      %dma_start3A_21 = tpu.memref_slice %arg6[%arg0, %mul3A_0, %dma_start3A] : memref<2x10240x128xf32, #tpu.memory_space<hbm>> -> memref<1x640x128xf32, #tpu.memory_space<hbm>>
      %dma_start3A_22 = tpu.memref_squeeze %dma_start3A_21 : memref<1x640x128xf32, #tpu.memory_space<hbm>> -> memref<640x128xf32, #tpu.memory_space<hbm>>
      %dma_start3A_23 = arith.constant 0 : i32
      %dma_start3A_24 = tpu.memref_slice %arg11[%mul3A_0, %dma_start3A_23] : memref<10240x128xf32, #tpu.memory_space<vmem_shared>> -> memref<640x128xf32, #tpu.memory_space<vmem_shared>>
      tpu.enqueue_dma source(%dma_start3A_24 : memref<640x128xf32, #tpu.memory_space<vmem_shared>>) target(%dma_start3A_22 : memref<640x128xf32, #tpu.memory_space<hbm>>) target_semaphore(%run_scoped3A : memref<!tpu.dma_semaphore, #tpu.memory_space<semaphore_mem>>)
      %dma_wait3A = arith.constant 0 : i32
      %dma_wait3A_25 = tpu.memref_slice %arg6[%arg0, %mul3A_0, %dma_wait3A] : memref<2x10240x128xf32, #tpu.memory_space<hbm>> -> memref<1x640x128xf32, #tpu.memory_space<hbm>>
      %dma_wait3A_26 = tpu.memref_squeeze %dma_wait3A_25 : memref<1x640x128xf32, #tpu.memory_space<hbm>> -> memref<640x128xf32, #tpu.memory_space<hbm>>
      %dma_wait3A_27 = arith.constant 0 : i32
      %dma_wait3A_28 = tpu.memref_slice %arg11[%mul3A_0, %dma_wait3A_27] : memref<10240x128xf32, #tpu.memory_space<vmem_shared>> -> memref<640x128xf32, #tpu.memory_space<vmem_shared>>
      tpu.wait_dma2 semaphore(%run_scoped3A : memref<!tpu.dma_semaphore, #tpu.memory_space<semaphore_mem>>) src(%dma_wait3A_28 : memref<640x128xf32, #tpu.memory_space<vmem_shared>>) dst(%dma_wait3A_26 : memref<640x128xf32, #tpu.memory_space<hbm>>)
      tpu.yield
    }) : () -> ()
    return
  }
}

#map = affine_map<(d0, d1) -> (0)>
#map1 = affine_map<(d0, d1) -> (0, 0)>
module attributes {stable_mosaic.version = 14 : i64} {
  func.func @k(%arg0: i32, %arg1: i32, %arg2: memref<323584xi32, #tpu.memory_space<hbm>>, %arg3: memref<128xf32, #tpu.memory_space<hbm>>, %arg4: memref<10240xf32, #tpu.memory_space<hbm>>, %arg5: memref<2x10240xf32, #tpu.memory_space<hbm>>, %arg6: memref<128xi32, #tpu.memory_space<vmem>>, %arg7: memref<128xf32, #tpu.memory_space<vmem>>, %arg8: memref<10240xf32, #tpu.memory_space<vmem_shared>>) attributes {dimension_semantics = [#tpu.dimension_semantics<core_parallel>, #tpu.dimension_semantics<subcore_parallel>], iteration_bounds = array<i64: 2, 16>, scalar_prefetch = 0 : i64, scratch_operands = 3 : i64, tpu.core_type = #tpu.core_type<sc_vector_subcore>, window_params = [{transform_indices = #map}, {transform_indices = #map}, {transform_indices = #map}, {transform_indices = #map1}]} {
    %mul3A = arith.constant 640 : i32
    %mul3A_0 = arith.muli %arg1, %mul3A : i32
    "tpu.region"() ({
      %run_scoped3A = tpu.sem_alloc : memref<!tpu.dma_semaphore, #tpu.memory_space<semaphore_mem>>
      %dma_start3A = tpu.memref_slice %arg8[%mul3A_0] : memref<10240xf32, #tpu.memory_space<vmem_shared>> -> memref<640xf32, #tpu.memory_space<vmem_shared>>
      %dma_start3A_11 = tpu.memref_slice %arg4[%mul3A_0] : memref<10240xf32, #tpu.memory_space<hbm>> -> memref<640xf32, #tpu.memory_space<hbm>>
      tpu.enqueue_dma source(%dma_start3A_11 : memref<640xf32, #tpu.memory_space<hbm>>) target(%dma_start3A : memref<640xf32, #tpu.memory_space<vmem_shared>>) target_semaphore(%run_scoped3A : memref<!tpu.dma_semaphore, #tpu.memory_space<semaphore_mem>>)
      %dma_wait3A = tpu.memref_slice %arg8[%mul3A_0] : memref<10240xf32, #tpu.memory_space<vmem_shared>> -> memref<640xf32, #tpu.memory_space<vmem_shared>>
      %dma_wait3A_12 = tpu.memref_slice %arg4[%mul3A_0] : memref<10240xf32, #tpu.memory_space<hbm>> -> memref<640xf32, #tpu.memory_space<hbm>>
      tpu.wait_dma2 semaphore(%run_scoped3A : memref<!tpu.dma_semaphore, #tpu.memory_space<semaphore_mem>>) src(%dma_wait3A_12 : memref<640xf32, #tpu.memory_space<hbm>>) dst(%dma_wait3A : memref<640xf32, #tpu.memory_space<vmem_shared>>)
      tpu.yield
    }) : () -> ()
    "tpu.region"() ({
      %run_scoped3A = tpu.sem_alloc : memref<!tpu.dma_semaphore, #tpu.memory_space<semaphore_mem>>
      tpu.enqueue_dma source(%arg3 : memref<128xf32, #tpu.memory_space<hbm>>) target(%arg7 : memref<128xf32, #tpu.memory_space<vmem>>) target_semaphore(%run_scoped3A : memref<!tpu.dma_semaphore, #tpu.memory_space<semaphore_mem>>)
      tpu.wait_dma2 semaphore(%run_scoped3A : memref<!tpu.dma_semaphore, #tpu.memory_space<semaphore_mem>>) src(%arg3 : memref<128xf32, #tpu.memory_space<hbm>>) dst(%arg7 : memref<128xf32, #tpu.memory_space<vmem>>)
      tpu.yield
    }) : () -> ()
    %barrier3A = arith.constant 0 : index
    tpu.barrier barrier_id(%barrier3A)
    %mul3A_1 = arith.constant 16 : i32
    %mul3A_2 = arith.muli %arg0, %mul3A_1 : i32
    %add3A = arith.addi %mul3A_2, %arg1 : i32
    %mul3A_3 = arith.constant 10112 : i32
    %mul3A_4 = arith.muli %add3A, %mul3A_3 : i32
    %scan3A = arith.constant 0 : i32
    %scan3A_5 = arith.constant 0 : i32
    %scan3A_6 = arith.constant 79 : i32
    %scan3A_7 = arith.addi %scan3A_5, %scan3A_6 : i32
    %scan3A_8 = arith.constant 1 : i32
    scf.for %scan3A_11 = %scan3A_5 to %scan3A_7 step %scan3A_8  : i32 {
      %mul3A_12 = arith.constant 128 : i32
      %mul3A_13 = arith.muli %scan3A_11, %mul3A_12 : i32
      %add3A_14 = arith.addi %mul3A_4, %mul3A_13 : i32
      "tpu.region"() ({
        %run_scoped3A = tpu.sem_alloc : memref<!tpu.dma_semaphore, #tpu.memory_space<semaphore_mem>>
        %dma_start3A = tpu.memref_slice %arg2[%add3A_14] : memref<323584xi32, #tpu.memory_space<hbm>> -> memref<128xi32, #tpu.memory_space<hbm>>
        %dma_start3A_15 = tpu.memref_slice %arg2[%add3A_14] : memref<323584xi32, #tpu.memory_space<hbm>> -> memref<128xi32, #tpu.memory_space<hbm>>
        tpu.enqueue_dma source(%dma_start3A_15 : memref<128xi32, #tpu.memory_space<hbm>>) target(%arg6 : memref<128xi32, #tpu.memory_space<vmem>>) target_semaphore(%run_scoped3A : memref<!tpu.dma_semaphore, #tpu.memory_space<semaphore_mem>>)
        %dma_wait3A = tpu.memref_slice %arg2[%add3A_14] : memref<323584xi32, #tpu.memory_space<hbm>> -> memref<128xi32, #tpu.memory_space<hbm>>
        %dma_wait3A_16 = tpu.memref_slice %arg2[%add3A_14] : memref<323584xi32, #tpu.memory_space<hbm>> -> memref<128xi32, #tpu.memory_space<hbm>>
        tpu.wait_dma2 semaphore(%run_scoped3A : memref<!tpu.dma_semaphore, #tpu.memory_space<semaphore_mem>>) src(%dma_wait3A_16 : memref<128xi32, #tpu.memory_space<hbm>>) dst(%arg6 : memref<128xi32, #tpu.memory_space<vmem>>)
        tpu.yield
      }) : () -> ()
      "tpu.region"() ({
        %run_scoped3A = tpu.sem_alloc : memref<!tpu.dma_semaphore, #tpu.memory_space<semaphore_mem>>
        %dma_start3A = arith.constant 0 : i32
        %dma_start3A_15 = tpu.memref_slice %arg8[%dma_start3A] : memref<10240xf32, #tpu.memory_space<vmem_shared>> -> memref<10240xf32, #tpu.memory_space<vmem_shared>>
        tpu.enqueue_indirect_dma source(%arg7 : memref<128xf32, #tpu.memory_space<vmem>>) target(%dma_start3A_15 : memref<10240xf32, #tpu.memory_space<vmem_shared>>) offsets(%arg6 : memref<128xi32, #tpu.memory_space<vmem>>) semaphore(%run_scoped3A : memref<!tpu.dma_semaphore, #tpu.memory_space<semaphore_mem>>) {add = true}
        %dma_wait3A = arith.constant 0 : i32
        %dma_wait3A_16 = tpu.memref_slice %arg8[%dma_wait3A] : memref<10240xf32, #tpu.memory_space<vmem_shared>> -> memref<10240xf32, #tpu.memory_space<vmem_shared>>
        tpu.wait_indirect_dma semaphore(%run_scoped3A : memref<!tpu.dma_semaphore, #tpu.memory_space<semaphore_mem>>) src(%arg7 : memref<128xf32, #tpu.memory_space<vmem>>) dst(%dma_wait3A_16 : memref<10240xf32, #tpu.memory_space<vmem_shared>>)
        tpu.yield
      }) : () -> ()
    }
    %scan3A_9 = arith.constant 79 : i32
    %barrier3A_10 = arith.constant 0 : index
    tpu.barrier barrier_id(%barrier3A_10)
    "tpu.region"() ({
      %run_scoped3A = tpu.sem_alloc : memref<!tpu.dma_semaphore, #tpu.memory_space<semaphore_mem>>
      %dma_start3A = tpu.memref_slice %arg5[%arg0, %mul3A_0] : memref<2x10240xf32, #tpu.memory_space<hbm>> -> memref<1x640xf32, #tpu.memory_space<hbm>>
      %dma_start3A_11 = tpu.memref_squeeze %dma_start3A : memref<1x640xf32, #tpu.memory_space<hbm>> -> memref<640xf32, #tpu.memory_space<hbm>>
      %dma_start3A_12 = tpu.memref_slice %arg8[%mul3A_0] : memref<10240xf32, #tpu.memory_space<vmem_shared>> -> memref<640xf32, #tpu.memory_space<vmem_shared>>
      tpu.enqueue_dma source(%dma_start3A_12 : memref<640xf32, #tpu.memory_space<vmem_shared>>) target(%dma_start3A_11 : memref<640xf32, #tpu.memory_space<hbm>>) target_semaphore(%run_scoped3A : memref<!tpu.dma_semaphore, #tpu.memory_space<semaphore_mem>>)
      %dma_wait3A = tpu.memref_slice %arg5[%arg0, %mul3A_0] : memref<2x10240xf32, #tpu.memory_space<hbm>> -> memref<1x640xf32, #tpu.memory_space<hbm>>
      %dma_wait3A_13 = tpu.memref_squeeze %dma_wait3A : memref<1x640xf32, #tpu.memory_space<hbm>> -> memref<640xf32, #tpu.memory_space<hbm>>
      %dma_wait3A_14 = tpu.memref_slice %arg8[%mul3A_0] : memref<10240xf32, #tpu.memory_space<vmem_shared>> -> memref<640xf32, #tpu.memory_space<vmem_shared>>
      tpu.wait_dma2 semaphore(%run_scoped3A : memref<!tpu.dma_semaphore, #tpu.memory_space<semaphore_mem>>) src(%dma_wait3A_14 : memref<640xf32, #tpu.memory_space<vmem_shared>>) dst(%dma_wait3A_13 : memref<640xf32, #tpu.memory_space<hbm>>)
      tpu.yield
    }) : () -> ()
    return
  }
}

#map = affine_map<(d0, d1) -> (0)>
#map1 = affine_map<(d0, d1) -> (0, 0)>
#map2 = affine_map<(d0, d1) -> (0, 0, 0)>
module attributes {stable_mosaic.version = 14 : i64} {
  func.func @k(%arg0: i32, %arg1: i32, %arg2: memref<323584xi32, #tpu.memory_space<hbm>>, %arg3: memref<323584xi32, #tpu.memory_space<hbm>>, %arg4: memref<10240x128xf32, #tpu.memory_space<hbm>>, %arg5: memref<10240x128xf32, #tpu.memory_space<hbm>>, %arg6: memref<2x10240x128xf32, #tpu.memory_space<hbm>>, %arg7: memref<128xi32, #tpu.memory_space<vmem>>, %arg8: memref<128xi32, #tpu.memory_space<vmem>>, %arg9: memref<128x128xf32, #tpu.memory_space<vmem>>, %arg10: memref<!tpu.dma_semaphore, #tpu.memory_space<semaphore_mem>>, %arg11: memref<10240x128xf32, #tpu.memory_space<vmem_shared>>) attributes {dimension_semantics = [#tpu.dimension_semantics<core_parallel>, #tpu.dimension_semantics<subcore_parallel>], iteration_bounds = array<i64: 2, 16>, scalar_prefetch = 0 : i64, scratch_operands = 5 : i64, tpu.core_type = #tpu.core_type<sc_vector_subcore>, window_params = [{transform_indices = #map}, {transform_indices = #map}, {transform_indices = #map1}, {transform_indices = #map1}, {transform_indices = #map2}]} {
    %mul3A = arith.constant 640 : i32
    %mul3A_0 = arith.muli %arg1, %mul3A : i32
    %eq3A = arith.constant 0 : i32
    %eq3A_1 = arith.cmpi eq, %arg0, %eq3A : i32
    %convert_element_type3A = arith.extui %eq3A_1 : i1 to i32
    %cond3A = arith.constant 0 : i32
    %cond3A_2 = arith.cmpi ne, %convert_element_type3A, %cond3A : i32
    scf.if %cond3A_2 {
      "tpu.region"() ({
        %run_scoped3A = tpu.sem_alloc : memref<!tpu.dma_semaphore, #tpu.memory_space<semaphore_mem>>
        %dma_start3A = arith.constant 0 : i32
        %dma_start3A_18 = tpu.memref_slice %arg11[%mul3A_0, %dma_start3A] : memref<10240x128xf32, #tpu.memory_space<vmem_shared>> -> memref<640x128xf32, #tpu.memory_space<vmem_shared>>
        %dma_start3A_19 = arith.constant 0 : i32
        %dma_start3A_20 = tpu.memref_slice %arg4[%mul3A_0, %dma_start3A_19] : memref<10240x128xf32, #tpu.memory_space<hbm>> -> memref<640x128xf32, #tpu.memory_space<hbm>>
        tpu.enqueue_dma source(%dma_start3A_20 : memref<640x128xf32, #tpu.memory_space<hbm>>) target(%dma_start3A_18 : memref<640x128xf32, #tpu.memory_space<vmem_shared>>) target_semaphore(%run_scoped3A : memref<!tpu.dma_semaphore, #tpu.memory_space<semaphore_mem>>)
        %dma_wait3A = arith.constant 0 : i32
        %dma_wait3A_21 = tpu.memref_slice %arg11[%mul3A_0, %dma_wait3A] : memref<10240x128xf32, #tpu.memory_space<vmem_shared>> -> memref<640x128xf32, #tpu.memory_space<vmem_shared>>
        %dma_wait3A_22 = arith.constant 0 : i32
        %dma_wait3A_23 = tpu.memref_slice %arg4[%mul3A_0, %dma_wait3A_22] : memref<10240x128xf32, #tpu.memory_space<hbm>> -> memref<640x128xf32, #tpu.memory_space<hbm>>
        tpu.wait_dma2 semaphore(%run_scoped3A : memref<!tpu.dma_semaphore, #tpu.memory_space<semaphore_mem>>) src(%dma_wait3A_23 : memref<640x128xf32, #tpu.memory_space<hbm>>) dst(%dma_wait3A_21 : memref<640x128xf32, #tpu.memory_space<vmem_shared>>)
        tpu.yield
      }) : () -> ()
    } else {
    }
    %eq3A_3 = arith.constant 1 : i32
    %eq3A_4 = arith.cmpi eq, %arg0, %eq3A_3 : i32
    %convert_element_type3A_5 = arith.extui %eq3A_4 : i1 to i32
    %cond3A_6 = arith.constant 0 : i32
    %cond3A_7 = arith.cmpi ne, %convert_element_type3A_5, %cond3A_6 : i32
    scf.if %cond3A_7 {
      "tpu.region"() ({
        %run_scoped3A = tpu.sem_alloc : memref<!tpu.dma_semaphore, #tpu.memory_space<semaphore_mem>>
        %dma_start3A = arith.constant 0 : i32
        %dma_start3A_18 = tpu.memref_slice %arg11[%mul3A_0, %dma_start3A] : memref<10240x128xf32, #tpu.memory_space<vmem_shared>> -> memref<640x128xf32, #tpu.memory_space<vmem_shared>>
        %dma_start3A_19 = arith.constant 0 : i32
        %dma_start3A_20 = tpu.memref_slice %arg5[%mul3A_0, %dma_start3A_19] : memref<10240x128xf32, #tpu.memory_space<hbm>> -> memref<640x128xf32, #tpu.memory_space<hbm>>
        tpu.enqueue_dma source(%dma_start3A_20 : memref<640x128xf32, #tpu.memory_space<hbm>>) target(%dma_start3A_18 : memref<640x128xf32, #tpu.memory_space<vmem_shared>>) target_semaphore(%run_scoped3A : memref<!tpu.dma_semaphore, #tpu.memory_space<semaphore_mem>>)
        %dma_wait3A = arith.constant 0 : i32
        %dma_wait3A_21 = tpu.memref_slice %arg11[%mul3A_0, %dma_wait3A] : memref<10240x128xf32, #tpu.memory_space<vmem_shared>> -> memref<640x128xf32, #tpu.memory_space<vmem_shared>>
        %dma_wait3A_22 = arith.constant 0 : i32
        %dma_wait3A_23 = tpu.memref_slice %arg5[%mul3A_0, %dma_wait3A_22] : memref<10240x128xf32, #tpu.memory_space<hbm>> -> memref<640x128xf32, #tpu.memory_space<hbm>>
        tpu.wait_dma2 semaphore(%run_scoped3A : memref<!tpu.dma_semaphore, #tpu.memory_space<semaphore_mem>>) src(%dma_wait3A_23 : memref<640x128xf32, #tpu.memory_space<hbm>>) dst(%dma_wait3A_21 : memref<640x128xf32, #tpu.memory_space<vmem_shared>>)
        tpu.yield
      }) : () -> ()
    } else {
    }
    %barrier3A = arith.constant 0 : index
    tpu.barrier barrier_id(%barrier3A)
    %mul3A_8 = arith.constant 16 : i32
    %mul3A_9 = arith.muli %arg0, %mul3A_8 : i32
    %add3A = arith.addi %mul3A_9, %arg1 : i32
    %mul3A_10 = arith.constant 10112 : i32
    %mul3A_11 = arith.muli %add3A, %mul3A_10 : i32
    %scan3A = arith.constant 0 : i32
    %scan3A_12 = arith.constant 0 : i32
    %scan3A_13 = arith.constant 79 : i32
    %scan3A_14 = arith.addi %scan3A_12, %scan3A_13 : i32
    %scan3A_15 = arith.constant 1 : i32
    scf.for %scan3A_18 = %scan3A_12 to %scan3A_14 step %scan3A_15  : i32 {
      %mul3A_19 = arith.constant 128 : i32
      %mul3A_20 = arith.muli %scan3A_18, %mul3A_19 : i32
      %add3A_21 = arith.addi %mul3A_11, %mul3A_20 : i32
      "tpu.region"() ({
        %run_scoped3A = tpu.sem_alloc : memref<!tpu.dma_semaphore, #tpu.memory_space<semaphore_mem>>
        %dma_start3A_26 = tpu.memref_slice %arg2[%add3A_21] : memref<323584xi32, #tpu.memory_space<hbm>> -> memref<128xi32, #tpu.memory_space<hbm>>
        %dma_start3A_27 = tpu.memref_slice %arg2[%add3A_21] : memref<323584xi32, #tpu.memory_space<hbm>> -> memref<128xi32, #tpu.memory_space<hbm>>
        tpu.enqueue_dma source(%dma_start3A_27 : memref<128xi32, #tpu.memory_space<hbm>>) target(%arg7 : memref<128xi32, #tpu.memory_space<vmem>>) target_semaphore(%run_scoped3A : memref<!tpu.dma_semaphore, #tpu.memory_space<semaphore_mem>>)
        %dma_wait3A_28 = tpu.memref_slice %arg2[%add3A_21] : memref<323584xi32, #tpu.memory_space<hbm>> -> memref<128xi32, #tpu.memory_space<hbm>>
        %dma_wait3A_29 = tpu.memref_slice %arg2[%add3A_21] : memref<323584xi32, #tpu.memory_space<hbm>> -> memref<128xi32, #tpu.memory_space<hbm>>
        tpu.wait_dma2 semaphore(%run_scoped3A : memref<!tpu.dma_semaphore, #tpu.memory_space<semaphore_mem>>) src(%dma_wait3A_29 : memref<128xi32, #tpu.memory_space<hbm>>) dst(%arg7 : memref<128xi32, #tpu.memory_space<vmem>>)
        tpu.yield
      }) : () -> ()
      "tpu.region"() ({
        %run_scoped3A = tpu.sem_alloc : memref<!tpu.dma_semaphore, #tpu.memory_space<semaphore_mem>>
        %dma_start3A_26 = tpu.memref_slice %arg3[%add3A_21] : memref<323584xi32, #tpu.memory_space<hbm>> -> memref<128xi32, #tpu.memory_space<hbm>>
        %dma_start3A_27 = tpu.memref_slice %arg3[%add3A_21] : memref<323584xi32, #tpu.memory_space<hbm>> -> memref<128xi32, #tpu.memory_space<hbm>>
        tpu.enqueue_dma source(%dma_start3A_27 : memref<128xi32, #tpu.memory_space<hbm>>) target(%arg8 : memref<128xi32, #tpu.memory_space<vmem>>) target_semaphore(%run_scoped3A : memref<!tpu.dma_semaphore, #tpu.memory_space<semaphore_mem>>)
        %dma_wait3A_28 = tpu.memref_slice %arg3[%add3A_21] : memref<323584xi32, #tpu.memory_space<hbm>> -> memref<128xi32, #tpu.memory_space<hbm>>
        %dma_wait3A_29 = tpu.memref_slice %arg3[%add3A_21] : memref<323584xi32, #tpu.memory_space<hbm>> -> memref<128xi32, #tpu.memory_space<hbm>>
        tpu.wait_dma2 semaphore(%run_scoped3A : memref<!tpu.dma_semaphore, #tpu.memory_space<semaphore_mem>>) src(%dma_wait3A_29 : memref<128xi32, #tpu.memory_space<hbm>>) dst(%arg8 : memref<128xi32, #tpu.memory_space<vmem>>)
        tpu.yield
      }) : () -> ()
      %dma_start3A = arith.constant 0 : i32
      %dma_start3A_22 = arith.constant 0 : i32
      %dma_start3A_23 = tpu.memref_slice %arg4[%dma_start3A, %dma_start3A_22] : memref<10240x128xf32, #tpu.memory_space<hbm>> -> memref<10240x128xf32, #tpu.memory_space<hbm>>
      tpu.enqueue_indirect_dma source(%dma_start3A_23 : memref<10240x128xf32, #tpu.memory_space<hbm>>) target(%arg9 : memref<128x128xf32, #tpu.memory_space<vmem>>) offsets(%arg7 : memref<128xi32, #tpu.memory_space<vmem>>) semaphore(%arg10 : memref<!tpu.dma_semaphore, #tpu.memory_space<semaphore_mem>>)
      %dma_wait3A = arith.constant 0 : i32
      %dma_wait3A_24 = arith.constant 0 : i32
      %dma_wait3A_25 = tpu.memref_slice %arg4[%dma_wait3A, %dma_wait3A_24] : memref<10240x128xf32, #tpu.memory_space<hbm>> -> memref<10240x128xf32, #tpu.memory_space<hbm>>
      tpu.wait_indirect_dma semaphore(%arg10 : memref<!tpu.dma_semaphore, #tpu.memory_space<semaphore_mem>>) src(%dma_wait3A_25 : memref<10240x128xf32, #tpu.memory_space<hbm>>) dst(%arg9 : memref<128x128xf32, #tpu.memory_space<vmem>>)
      "tpu.region"() ({
        %run_scoped3A = tpu.sem_alloc : memref<!tpu.dma_semaphore, #tpu.memory_space<semaphore_mem>>
        %dma_start3A_26 = arith.constant 0 : i32
        %dma_start3A_27 = arith.constant 0 : i32
        %dma_start3A_28 = tpu.memref_slice %arg11[%dma_start3A_26, %dma_start3A_27] : memref<10240x128xf32, #tpu.memory_space<vmem_shared>> -> memref<10240x128xf32, #tpu.memory_space<vmem_shared>>
        tpu.enqueue_indirect_dma source(%arg9 : memref<128x128xf32, #tpu.memory_space<vmem>>) target(%dma_start3A_28 : memref<10240x128xf32, #tpu.memory_space<vmem_shared>>) offsets(%arg8 : memref<128xi32, #tpu.memory_space<vmem>>) semaphore(%run_scoped3A : memref<!tpu.dma_semaphore, #tpu.memory_space<semaphore_mem>>) {add = true}
        %dma_wait3A_29 = arith.constant 0 : i32
        %dma_wait3A_30 = arith.constant 0 : i32
        %dma_wait3A_31 = tpu.memref_slice %arg11[%dma_wait3A_29, %dma_wait3A_30] : memref<10240x128xf32, #tpu.memory_space<vmem_shared>> -> memref<10240x128xf32, #tpu.memory_space<vmem_shared>>
        tpu.wait_indirect_dma semaphore(%run_scoped3A : memref<!tpu.dma_semaphore, #tpu.memory_space<semaphore_mem>>) src(%arg9 : memref<128x128xf32, #tpu.memory_space<vmem>>) dst(%dma_wait3A_31 : memref<10240x128xf32, #tpu.memory_space<vmem_shared>>)
        tpu.yield
      }) : () -> ()
    }
    %scan3A_16 = arith.constant 79 : i32
    %barrier3A_17 = arith.constant 0 : index
    tpu.barrier barrier_id(%barrier3A_17)
    "tpu.region"() ({
      %run_scoped3A = tpu.sem_alloc : memref<!tpu.dma_semaphore, #tpu.memory_space<semaphore_mem>>
      %dma_start3A = arith.constant 0 : i32
      %dma_start3A_18 = tpu.memref_slice %arg6[%arg0, %mul3A_0, %dma_start3A] : memref<2x10240x128xf32, #tpu.memory_space<hbm>> -> memref<1x640x128xf32, #tpu.memory_space<hbm>>
      %dma_start3A_19 = tpu.memref_squeeze %dma_start3A_18 : memref<1x640x128xf32, #tpu.memory_space<hbm>> -> memref<640x128xf32, #tpu.memory_space<hbm>>
      %dma_start3A_20 = arith.constant 0 : i32
      %dma_start3A_21 = tpu.memref_slice %arg11[%mul3A_0, %dma_start3A_20] : memref<10240x128xf32, #tpu.memory_space<vmem_shared>> -> memref<640x128xf32, #tpu.memory_space<vmem_shared>>
      tpu.enqueue_dma source(%dma_start3A_21 : memref<640x128xf32, #tpu.memory_space<vmem_shared>>) target(%dma_start3A_19 : memref<640x128xf32, #tpu.memory_space<hbm>>) target_semaphore(%run_scoped3A : memref<!tpu.dma_semaphore, #tpu.memory_space<semaphore_mem>>)
      %dma_wait3A = arith.constant 0 : i32
      %dma_wait3A_22 = tpu.memref_slice %arg6[%arg0, %mul3A_0, %dma_wait3A] : memref<2x10240x128xf32, #tpu.memory_space<hbm>> -> memref<1x640x128xf32, #tpu.memory_space<hbm>>
      %dma_wait3A_23 = tpu.memref_squeeze %dma_wait3A_22 : memref<1x640x128xf32, #tpu.memory_space<hbm>> -> memref<640x128xf32, #tpu.memory_space<hbm>>
      %dma_wait3A_24 = arith.constant 0 : i32
      %dma_wait3A_25 = tpu.memref_slice %arg11[%mul3A_0, %dma_wait3A_24] : memref<10240x128xf32, #tpu.memory_space<vmem_shared>> -> memref<640x128xf32, #tpu.memory_space<vmem_shared>>
      tpu.wait_dma2 semaphore(%run_scoped3A : memref<!tpu.dma_semaphore, #tpu.memory_space<semaphore_mem>>) src(%dma_wait3A_25 : memref<640x128xf32, #tpu.memory_space<vmem_shared>>) dst(%dma_wait3A_23 : memref<640x128xf32, #tpu.memory_space<hbm>>)
      tpu.yield
    }) : () -> ()
    return
  }
}

#map = affine_map<(d0, d1) -> (0)>
#map1 = affine_map<(d0, d1) -> (0, 0)>
#map2 = affine_map<(d0, d1) -> (0, 0, 0)>
module attributes {stable_mosaic.version = 14 : i64} {
  func.func @k(%arg0: i32, %arg1: i32, %arg2: memref<323584xi32, #tpu.memory_space<hbm>>, %arg3: memref<323584xi32, #tpu.memory_space<hbm>>, %arg4: memref<10240x128xf32, #tpu.memory_space<hbm>>, %arg5: memref<10240x128xf32, #tpu.memory_space<hbm>>, %arg6: memref<10240x128xf32, #tpu.memory_space<hbm>>, %arg7: memref<10240x128xf32, #tpu.memory_space<hbm>>, %arg8: memref<2x323584x128xf32, #tpu.memory_space<hbm>>, %arg9: memref<128xi32, #tpu.memory_space<vmem>>, %arg10: memref<128xi32, #tpu.memory_space<vmem>>, %arg11: memref<128x128xf32, #tpu.memory_space<vmem>>, %arg12: memref<!tpu.dma_semaphore, #tpu.memory_space<semaphore_mem>>) attributes {dimension_semantics = [#tpu.dimension_semantics<core_parallel>, #tpu.dimension_semantics<subcore_parallel>], iteration_bounds = array<i64: 2, 16>, scalar_prefetch = 0 : i64, scratch_operands = 4 : i64, tpu.core_type = #tpu.core_type<sc_vector_subcore>, window_params = [{transform_indices = #map}, {transform_indices = #map}, {transform_indices = #map1}, {transform_indices = #map1}, {transform_indices = #map1}, {transform_indices = #map1}, {transform_indices = #map2}]} {
    %mul3A = arith.constant 20224 : i32
    %mul3A_0 = arith.muli %arg1, %mul3A : i32
    %eq3A = arith.constant 0 : i32
    %eq3A_1 = arith.cmpi eq, %arg0, %eq3A : i32
    %convert_element_type3A = arith.extui %eq3A_1 : i1 to i32
    %cond3A = arith.constant 0 : i32
    %cond3A_2 = arith.cmpi ne, %convert_element_type3A, %cond3A : i32
    scf.if %cond3A_2 {
      %scan3A = arith.constant 0 : i32
      %scan3A_8 = arith.constant 0 : i32
      %scan3A_9 = arith.constant 158 : i32
      %scan3A_10 = arith.addi %scan3A_8, %scan3A_9 : i32
      %scan3A_11 = arith.constant 1 : i32
      scf.for %scan3A_13 = %scan3A_8 to %scan3A_10 step %scan3A_11  : i32 {
        %mul3A_14 = arith.constant 128 : i32
        %mul3A_15 = arith.muli %scan3A_13, %mul3A_14 : i32
        %add3A = arith.addi %mul3A_0, %mul3A_15 : i32
        "tpu.region"() ({
          %run_scoped3A = tpu.sem_alloc : memref<!tpu.dma_semaphore, #tpu.memory_space<semaphore_mem>>
          %dma_start3A_26 = tpu.memref_slice %arg2[%add3A] : memref<323584xi32, #tpu.memory_space<hbm>> -> memref<128xi32, #tpu.memory_space<hbm>>
          %dma_start3A_27 = tpu.memref_slice %arg2[%add3A] : memref<323584xi32, #tpu.memory_space<hbm>> -> memref<128xi32, #tpu.memory_space<hbm>>
          tpu.enqueue_dma source(%dma_start3A_27 : memref<128xi32, #tpu.memory_space<hbm>>) target(%arg9 : memref<128xi32, #tpu.memory_space<vmem>>) target_semaphore(%run_scoped3A : memref<!tpu.dma_semaphore, #tpu.memory_space<semaphore_mem>>)
          %dma_wait3A_28 = tpu.memref_slice %arg2[%add3A] : memref<323584xi32, #tpu.memory_space<hbm>> -> memref<128xi32, #tpu.memory_space<hbm>>
          %dma_wait3A_29 = tpu.memref_slice %arg2[%add3A] : memref<323584xi32, #tpu.memory_space<hbm>> -> memref<128xi32, #tpu.memory_space<hbm>>
          tpu.wait_dma2 semaphore(%run_scoped3A : memref<!tpu.dma_semaphore, #tpu.memory_space<semaphore_mem>>) src(%dma_wait3A_29 : memref<128xi32, #tpu.memory_space<hbm>>) dst(%arg9 : memref<128xi32, #tpu.memory_space<vmem>>)
          tpu.yield
        }) : () -> ()
        "tpu.region"() ({
          %run_scoped3A = tpu.sem_alloc : memref<!tpu.dma_semaphore, #tpu.memory_space<semaphore_mem>>
          %dma_start3A_26 = tpu.memref_slice %arg3[%add3A] : memref<323584xi32, #tpu.memory_space<hbm>> -> memref<128xi32, #tpu.memory_space<hbm>>
          %dma_start3A_27 = tpu.memref_slice %arg3[%add3A] : memref<323584xi32, #tpu.memory_space<hbm>> -> memref<128xi32, #tpu.memory_space<hbm>>
          tpu.enqueue_dma source(%dma_start3A_27 : memref<128xi32, #tpu.memory_space<hbm>>) target(%arg10 : memref<128xi32, #tpu.memory_space<vmem>>) target_semaphore(%run_scoped3A : memref<!tpu.dma_semaphore, #tpu.memory_space<semaphore_mem>>)
          %dma_wait3A_28 = tpu.memref_slice %arg3[%add3A] : memref<323584xi32, #tpu.memory_space<hbm>> -> memref<128xi32, #tpu.memory_space<hbm>>
          %dma_wait3A_29 = tpu.memref_slice %arg3[%add3A] : memref<323584xi32, #tpu.memory_space<hbm>> -> memref<128xi32, #tpu.memory_space<hbm>>
          tpu.wait_dma2 semaphore(%run_scoped3A : memref<!tpu.dma_semaphore, #tpu.memory_space<semaphore_mem>>) src(%dma_wait3A_29 : memref<128xi32, #tpu.memory_space<hbm>>) dst(%arg10 : memref<128xi32, #tpu.memory_space<vmem>>)
          tpu.yield
        }) : () -> ()
        %dma_start3A = arith.constant 0 : i32
        %dma_start3A_16 = arith.constant 0 : i32
        %dma_start3A_17 = tpu.memref_slice %arg4[%dma_start3A, %dma_start3A_16] : memref<10240x128xf32, #tpu.memory_space<hbm>> -> memref<10240x128xf32, #tpu.memory_space<hbm>>
        tpu.enqueue_indirect_dma source(%dma_start3A_17 : memref<10240x128xf32, #tpu.memory_space<hbm>>) target(%arg11 : memref<128x128xf32, #tpu.memory_space<vmem>>) offsets(%arg9 : memref<128xi32, #tpu.memory_space<vmem>>) semaphore(%arg12 : memref<!tpu.dma_semaphore, #tpu.memory_space<semaphore_mem>>)
        %dma_wait3A = arith.constant 0 : i32
        %dma_wait3A_18 = arith.constant 0 : i32
        %dma_wait3A_19 = tpu.memref_slice %arg4[%dma_wait3A, %dma_wait3A_18] : memref<10240x128xf32, #tpu.memory_space<hbm>> -> memref<10240x128xf32, #tpu.memory_space<hbm>>
        tpu.wait_indirect_dma semaphore(%arg12 : memref<!tpu.dma_semaphore, #tpu.memory_space<semaphore_mem>>) src(%dma_wait3A_19 : memref<10240x128xf32, #tpu.memory_space<hbm>>) dst(%arg11 : memref<128x128xf32, #tpu.memory_space<vmem>>)
        %dma_start3A_20 = arith.constant 0 : i32
        %dma_start3A_21 = arith.constant 0 : i32
        %dma_start3A_22 = tpu.memref_slice %arg6[%dma_start3A_20, %dma_start3A_21] : memref<10240x128xf32, #tpu.memory_space<hbm>> -> memref<10240x128xf32, #tpu.memory_space<hbm>>
        tpu.enqueue_indirect_dma source(%dma_start3A_22 : memref<10240x128xf32, #tpu.memory_space<hbm>>) target(%arg11 : memref<128x128xf32, #tpu.memory_space<vmem>>) offsets(%arg10 : memref<128xi32, #tpu.memory_space<vmem>>) semaphore(%arg12 : memref<!tpu.dma_semaphore, #tpu.memory_space<semaphore_mem>>) {add = true}
        %dma_wait3A_23 = arith.constant 0 : i32
        %dma_wait3A_24 = arith.constant 0 : i32
        %dma_wait3A_25 = tpu.memref_slice %arg6[%dma_wait3A_23, %dma_wait3A_24] : memref<10240x128xf32, #tpu.memory_space<hbm>> -> memref<10240x128xf32, #tpu.memory_space<hbm>>
        tpu.wait_indirect_dma semaphore(%arg12 : memref<!tpu.dma_semaphore, #tpu.memory_space<semaphore_mem>>) src(%dma_wait3A_25 : memref<10240x128xf32, #tpu.memory_space<hbm>>) dst(%arg11 : memref<128x128xf32, #tpu.memory_space<vmem>>)
        "tpu.region"() ({
          %run_scoped3A = tpu.sem_alloc : memref<!tpu.dma_semaphore, #tpu.memory_space<semaphore_mem>>
          %dma_start3A_26 = arith.constant 0 : i32
          %dma_start3A_27 = tpu.memref_slice %arg8[%arg0, %add3A, %dma_start3A_26] : memref<2x323584x128xf32, #tpu.memory_space<hbm>> -> memref<1x128x128xf32, #tpu.memory_space<hbm>>
          %dma_start3A_28 = tpu.memref_squeeze %dma_start3A_27 : memref<1x128x128xf32, #tpu.memory_space<hbm>> -> memref<128x128xf32, #tpu.memory_space<hbm>>
          %dma_start3A_29 = arith.constant 0 : i32
          %dma_start3A_30 = tpu.memref_slice %arg8[%arg0, %add3A, %dma_start3A_29] : memref<2x323584x128xf32, #tpu.memory_space<hbm>> -> memref<1x128x128xf32, #tpu.memory_space<hbm>>
          %dma_start3A_31 = tpu.memref_squeeze %dma_start3A_30 : memref<1x128x128xf32, #tpu.memory_space<hbm>> -> memref<128x128xf32, #tpu.memory_space<hbm>>
          tpu.enqueue_dma source(%arg11 : memref<128x128xf32, #tpu.memory_space<vmem>>) target(%dma_start3A_31 : memref<128x128xf32, #tpu.memory_space<hbm>>) target_semaphore(%run_scoped3A : memref<!tpu.dma_semaphore, #tpu.memory_space<semaphore_mem>>)
          %dma_wait3A_32 = arith.constant 0 : i32
          %dma_wait3A_33 = tpu.memref_slice %arg8[%arg0, %add3A, %dma_wait3A_32] : memref<2x323584x128xf32, #tpu.memory_space<hbm>> -> memref<1x128x128xf32, #tpu.memory_space<hbm>>
          %dma_wait3A_34 = tpu.memref_squeeze %dma_wait3A_33 : memref<1x128x128xf32, #tpu.memory_space<hbm>> -> memref<128x128xf32, #tpu.memory_space<hbm>>
          %dma_wait3A_35 = arith.constant 0 : i32
          %dma_wait3A_36 = tpu.memref_slice %arg8[%arg0, %add3A, %dma_wait3A_35] : memref<2x323584x128xf32, #tpu.memory_space<hbm>> -> memref<1x128x128xf32, #tpu.memory_space<hbm>>
          %dma_wait3A_37 = tpu.memref_squeeze %dma_wait3A_36 : memref<1x128x128xf32, #tpu.memory_space<hbm>> -> memref<128x128xf32, #tpu.memory_space<hbm>>
          tpu.wait_dma2 semaphore(%run_scoped3A : memref<!tpu.dma_semaphore, #tpu.memory_space<semaphore_mem>>) src(%arg11 : memref<128x128xf32, #tpu.memory_space<vmem>>) dst(%dma_wait3A_37 : memref<128x128xf32, #tpu.memory_space<hbm>>)
          tpu.yield
        }) : () -> ()
      }
      %scan3A_12 = arith.constant 158 : i32
    } else {
    }
    %eq3A_3 = arith.constant 1 : i32
    %eq3A_4 = arith.cmpi eq, %arg0, %eq3A_3 : i32
    %convert_element_type3A_5 = arith.extui %eq3A_4 : i1 to i32
    %cond3A_6 = arith.constant 0 : i32
    %cond3A_7 = arith.cmpi ne, %convert_element_type3A_5, %cond3A_6 : i32
    scf.if %cond3A_7 {
      %scan3A = arith.constant 0 : i32
      %scan3A_8 = arith.constant 0 : i32
      %scan3A_9 = arith.constant 158 : i32
      %scan3A_10 = arith.addi %scan3A_8, %scan3A_9 : i32
      %scan3A_11 = arith.constant 1 : i32
      scf.for %scan3A_13 = %scan3A_8 to %scan3A_10 step %scan3A_11  : i32 {
        %mul3A_14 = arith.constant 128 : i32
        %mul3A_15 = arith.muli %scan3A_13, %mul3A_14 : i32
        %add3A = arith.addi %mul3A_0, %mul3A_15 : i32
        "tpu.region"() ({
          %run_scoped3A = tpu.sem_alloc : memref<!tpu.dma_semaphore, #tpu.memory_space<semaphore_mem>>
          %dma_start3A_26 = tpu.memref_slice %arg2[%add3A] : memref<323584xi32, #tpu.memory_space<hbm>> -> memref<128xi32, #tpu.memory_space<hbm>>
          %dma_start3A_27 = tpu.memref_slice %arg2[%add3A] : memref<323584xi32, #tpu.memory_space<hbm>> -> memref<128xi32, #tpu.memory_space<hbm>>
          tpu.enqueue_dma source(%dma_start3A_27 : memref<128xi32, #tpu.memory_space<hbm>>) target(%arg9 : memref<128xi32, #tpu.memory_space<vmem>>) target_semaphore(%run_scoped3A : memref<!tpu.dma_semaphore, #tpu.memory_space<semaphore_mem>>)
          %dma_wait3A_28 = tpu.memref_slice %arg2[%add3A] : memref<323584xi32, #tpu.memory_space<hbm>> -> memref<128xi32, #tpu.memory_space<hbm>>
          %dma_wait3A_29 = tpu.memref_slice %arg2[%add3A] : memref<323584xi32, #tpu.memory_space<hbm>> -> memref<128xi32, #tpu.memory_space<hbm>>
          tpu.wait_dma2 semaphore(%run_scoped3A : memref<!tpu.dma_semaphore, #tpu.memory_space<semaphore_mem>>) src(%dma_wait3A_29 : memref<128xi32, #tpu.memory_space<hbm>>) dst(%arg9 : memref<128xi32, #tpu.memory_space<vmem>>)
          tpu.yield
        }) : () -> ()
        "tpu.region"() ({
          %run_scoped3A = tpu.sem_alloc : memref<!tpu.dma_semaphore, #tpu.memory_space<semaphore_mem>>
          %dma_start3A_26 = tpu.memref_slice %arg3[%add3A] : memref<323584xi32, #tpu.memory_space<hbm>> -> memref<128xi32, #tpu.memory_space<hbm>>
          %dma_start3A_27 = tpu.memref_slice %arg3[%add3A] : memref<323584xi32, #tpu.memory_space<hbm>> -> memref<128xi32, #tpu.memory_space<hbm>>
          tpu.enqueue_dma source(%dma_start3A_27 : memref<128xi32, #tpu.memory_space<hbm>>) target(%arg10 : memref<128xi32, #tpu.memory_space<vmem>>) target_semaphore(%run_scoped3A : memref<!tpu.dma_semaphore, #tpu.memory_space<semaphore_mem>>)
          %dma_wait3A_28 = tpu.memref_slice %arg3[%add3A] : memref<323584xi32, #tpu.memory_space<hbm>> -> memref<128xi32, #tpu.memory_space<hbm>>
          %dma_wait3A_29 = tpu.memref_slice %arg3[%add3A] : memref<323584xi32, #tpu.memory_space<hbm>> -> memref<128xi32, #tpu.memory_space<hbm>>
          tpu.wait_dma2 semaphore(%run_scoped3A : memref<!tpu.dma_semaphore, #tpu.memory_space<semaphore_mem>>) src(%dma_wait3A_29 : memref<128xi32, #tpu.memory_space<hbm>>) dst(%arg10 : memref<128xi32, #tpu.memory_space<vmem>>)
          tpu.yield
        }) : () -> ()
        %dma_start3A = arith.constant 0 : i32
        %dma_start3A_16 = arith.constant 0 : i32
        %dma_start3A_17 = tpu.memref_slice %arg5[%dma_start3A, %dma_start3A_16] : memref<10240x128xf32, #tpu.memory_space<hbm>> -> memref<10240x128xf32, #tpu.memory_space<hbm>>
        tpu.enqueue_indirect_dma source(%dma_start3A_17 : memref<10240x128xf32, #tpu.memory_space<hbm>>) target(%arg11 : memref<128x128xf32, #tpu.memory_space<vmem>>) offsets(%arg9 : memref<128xi32, #tpu.memory_space<vmem>>) semaphore(%arg12 : memref<!tpu.dma_semaphore, #tpu.memory_space<semaphore_mem>>)
        %dma_wait3A = arith.constant 0 : i32
        %dma_wait3A_18 = arith.constant 0 : i32
        %dma_wait3A_19 = tpu.memref_slice %arg5[%dma_wait3A, %dma_wait3A_18] : memref<10240x128xf32, #tpu.memory_space<hbm>> -> memref<10240x128xf32, #tpu.memory_space<hbm>>
        tpu.wait_indirect_dma semaphore(%arg12 : memref<!tpu.dma_semaphore, #tpu.memory_space<semaphore_mem>>) src(%dma_wait3A_19 : memref<10240x128xf32, #tpu.memory_space<hbm>>) dst(%arg11 : memref<128x128xf32, #tpu.memory_space<vmem>>)
        %dma_start3A_20 = arith.constant 0 : i32
        %dma_start3A_21 = arith.constant 0 : i32
        %dma_start3A_22 = tpu.memref_slice %arg7[%dma_start3A_20, %dma_start3A_21] : memref<10240x128xf32, #tpu.memory_space<hbm>> -> memref<10240x128xf32, #tpu.memory_space<hbm>>
        tpu.enqueue_indirect_dma source(%dma_start3A_22 : memref<10240x128xf32, #tpu.memory_space<hbm>>) target(%arg11 : memref<128x128xf32, #tpu.memory_space<vmem>>) offsets(%arg10 : memref<128xi32, #tpu.memory_space<vmem>>) semaphore(%arg12 : memref<!tpu.dma_semaphore, #tpu.memory_space<semaphore_mem>>) {add = true}
        %dma_wait3A_23 = arith.constant 0 : i32
        %dma_wait3A_24 = arith.constant 0 : i32
        %dma_wait3A_25 = tpu.memref_slice %arg7[%dma_wait3A_23, %dma_wait3A_24] : memref<10240x128xf32, #tpu.memory_space<hbm>> -> memref<10240x128xf32, #tpu.memory_space<hbm>>
        tpu.wait_indirect_dma semaphore(%arg12 : memref<!tpu.dma_semaphore, #tpu.memory_space<semaphore_mem>>) src(%dma_wait3A_25 : memref<10240x128xf32, #tpu.memory_space<hbm>>) dst(%arg11 : memref<128x128xf32, #tpu.memory_space<vmem>>)
        "tpu.region"() ({
          %run_scoped3A = tpu.sem_alloc : memref<!tpu.dma_semaphore, #tpu.memory_space<semaphore_mem>>
          %dma_start3A_26 = arith.constant 0 : i32
          %dma_start3A_27 = tpu.memref_slice %arg8[%arg0, %add3A, %dma_start3A_26] : memref<2x323584x128xf32, #tpu.memory_space<hbm>> -> memref<1x128x128xf32, #tpu.memory_space<hbm>>
          %dma_start3A_28 = tpu.memref_squeeze %dma_start3A_27 : memref<1x128x128xf32, #tpu.memory_space<hbm>> -> memref<128x128xf32, #tpu.memory_space<hbm>>
          %dma_start3A_29 = arith.constant 0 : i32
          %dma_start3A_30 = tpu.memref_slice %arg8[%arg0, %add3A, %dma_start3A_29] : memref<2x323584x128xf32, #tpu.memory_space<hbm>> -> memref<1x128x128xf32, #tpu.memory_space<hbm>>
          %dma_start3A_31 = tpu.memref_squeeze %dma_start3A_30 : memref<1x128x128xf32, #tpu.memory_space<hbm>> -> memref<128x128xf32, #tpu.memory_space<hbm>>
          tpu.enqueue_dma source(%arg11 : memref<128x128xf32, #tpu.memory_space<vmem>>) target(%dma_start3A_31 : memref<128x128xf32, #tpu.memory_space<hbm>>) target_semaphore(%run_scoped3A : memref<!tpu.dma_semaphore, #tpu.memory_space<semaphore_mem>>)
          %dma_wait3A_32 = arith.constant 0 : i32
          %dma_wait3A_33 = tpu.memref_slice %arg8[%arg0, %add3A, %dma_wait3A_32] : memref<2x323584x128xf32, #tpu.memory_space<hbm>> -> memref<1x128x128xf32, #tpu.memory_space<hbm>>
          %dma_wait3A_34 = tpu.memref_squeeze %dma_wait3A_33 : memref<1x128x128xf32, #tpu.memory_space<hbm>> -> memref<128x128xf32, #tpu.memory_space<hbm>>
          %dma_wait3A_35 = arith.constant 0 : i32
          %dma_wait3A_36 = tpu.memref_slice %arg8[%arg0, %add3A, %dma_wait3A_35] : memref<2x323584x128xf32, #tpu.memory_space<hbm>> -> memref<1x128x128xf32, #tpu.memory_space<hbm>>
          %dma_wait3A_37 = tpu.memref_squeeze %dma_wait3A_36 : memref<1x128x128xf32, #tpu.memory_space<hbm>> -> memref<128x128xf32, #tpu.memory_space<hbm>>
          tpu.wait_dma2 semaphore(%run_scoped3A : memref<!tpu.dma_semaphore, #tpu.memory_space<semaphore_mem>>) src(%arg11 : memref<128x128xf32, #tpu.memory_space<vmem>>) dst(%dma_wait3A_37 : memref<128x128xf32, #tpu.memory_space<hbm>>)
          tpu.yield
        }) : () -> ()
      }
      %scan3A_12 = arith.constant 158 : i32
    } else {
    }
    return
  }
}

module attributes {stable_mosaic.version = 14 : i64} {
  func.func @body(%arg0: i32, %arg1: memref<256x128xf32, #tpu.memory_space<vmem>>, %arg2: memref<128x128xf32, #tpu.memory_space<vmem>>, %arg3: memref<2x256xf32, #tpu.memory_space<vmem>>, %arg4: memref<256x128xf32, #tpu.memory_space<vmem>>, %arg5: memref<256x1xf32, #tpu.memory_space<vmem>>) attributes {dimension_semantics = [#tpu.dimension_semantics<arbitrary>], iteration_bounds = array<i64: 40>, scalar_prefetch = 0 : i64, scratch_operands = 0 : i64, tpu.core_type = #tpu.core_type<tc>, window_params = [{transform_indices = @transform_0, window_bounds = array<i64: 256, 128>}, {pipeline_mode = #tpu.pipeline_mode<synchronous>, transform_indices = @transform_1, window_bounds = array<i64: 128, 128>}, {transform_indices = @transform_2, window_bounds = array<i64: 2, 256>}, {transform_indices = @transform_3, window_bounds = array<i64: 256, 128>}, {transform_indices = @transform_4, window_bounds = array<i64: 256, 1>}]} {
    %get3A = arith.constant 0 : index
    %get3A_0 = arith.constant 0 : index
    %get3A_1 = vector.load %arg3[%get3A, %get3A_0] : memref<2x256xf32, #tpu.memory_space<vmem>>, vector<1x256xf32>
    %get3A_2 = vector.shape_cast %get3A_1 : vector<1x256xf32> to vector<256xf32>
    %add3A = arith.constant 1.000000e+00 : f32
    %add3A_3 = vector.broadcast %add3A : f32 to vector<256xf32>
    %add3A_4 = arith.addf %add3A_3, %get3A_2 : vector<256xf32>
    %get3A_5 = arith.constant 1 : index
    %get3A_6 = arith.constant 0 : index
    %get3A_7 = vector.load %arg3[%get3A_5, %get3A_6] : memref<2x256xf32, #tpu.memory_space<vmem>>, vector<1x256xf32>
    %get3A_8 = vector.shape_cast %get3A_7 : vector<1x256xf32> to vector<256xf32>
    %add3A_9 = arith.addf %add3A_4, %get3A_8 : vector<256xf32>
    %rsqrt3A = math.rsqrt %add3A_9 : vector<256xf32>
    %get3A_10 = arith.constant 0 : index
    %get3A_11 = arith.constant 0 : index
    %get3A_12 = vector.load %arg1[%get3A_10, %get3A_11] : memref<256x128xf32, #tpu.memory_space<vmem>>, vector<256x128xf32>
    %get3A_13 = arith.constant 0 : index
    %get3A_14 = arith.constant 0 : index
    %get3A_15 = vector.load %arg2[%get3A_13, %get3A_14] : memref<128x128xf32, #tpu.memory_space<vmem>>, vector<128x128xf32>
    %dot_general3A = arith.constant dense<0.000000e+00> : vector<256x128xf32>
    %dot_general3A_16 = tpu.matmul %get3A_12, %get3A_15, %dot_general3A {dimension_numbers = #tpu.dot_dimension_numbers<[1], [0], [0], [1], [0, 0, 1, 1], [], []>, transpose_lhs_hint = false} : vector<256x128xf32>, vector<128x128xf32>, vector<256x128xf32> -> vector<256x128xf32>
    %broadcast_in_dim3A = vector.shape_cast %rsqrt3A : vector<256xf32> to vector<256x1xf32>
    %mul3A = vector.broadcast %broadcast_in_dim3A : vector<256x1xf32> to vector<256x128xf32>
    %mul3A_17 = arith.mulf %dot_general3A_16, %mul3A : vector<256x128xf32>
    %swap3A = arith.constant 0 : index
    %swap3A_18 = arith.constant 0 : index
    %swap3A_19 = vector.load %arg4[%swap3A, %swap3A_18] : memref<256x128xf32, #tpu.memory_space<vmem>>, vector<256x128xf32>
    tpu.vector_store %arg4[%swap3A, %swap3A_18], %mul3A_17 {strides = array<i32>} : memref<256x128xf32, #tpu.memory_space<vmem>>, vector<256x128xf32>,
    %broadcast_in_dim3A_20 = vector.shape_cast %rsqrt3A : vector<256xf32> to vector<256x1xf32>
    %swap3A_21 = arith.constant 0 : index
    %swap3A_22 = arith.constant 0 : index
    %swap3A_23 = vector.load %arg5[%swap3A_21, %swap3A_22] : memref<256x1xf32, #tpu.memory_space<vmem>>, vector<256x1xf32>
    tpu.vector_store %arg5[%swap3A_21, %swap3A_22], %broadcast_in_dim3A_20 {strides = array<i32>} : memref<256x1xf32, #tpu.memory_space<vmem>>, vector<256x1xf32>,
    return
  }
  func.func @transform_0(%arg0: i32) -> (i32, i32) {
    %c0_i32 = arith.constant 0 : i32
    %c0_i32_0 = arith.constant 0 : i32
    return %arg0, %c0_i32 : i32, i32
  }
  func.func @transform_1(%arg0: i32) -> (i32, i32) {
    %c0_i32 = arith.constant 0 : i32
    %c0_i32_0 = arith.constant 0 : i32
    %c0_i32_1 = arith.constant 0 : i32
    return %c0_i32, %c0_i32_0 : i32, i32
  }
  func.func @transform_2(%arg0: i32) -> (i32, i32) {
    %c0_i32 = arith.constant 0 : i32
    %c0_i32_0 = arith.constant 0 : i32
    return %c0_i32, %arg0 : i32, i32
  }
  func.func @transform_3(%arg0: i32) -> (i32, i32) {
    %c0_i32 = arith.constant 0 : i32
    %c0_i32_0 = arith.constant 0 : i32
    return %arg0, %c0_i32 : i32, i32
  }
  func.func @transform_4(%arg0: i32) -> (i32, i32) {
    %c0_i32 = arith.constant 0 : i32
    %c0_i32_0 = arith.constant 0 : i32
    return %arg0, %c0_i32 : i32, i32
  }
}

module attributes {stable_mosaic.version = 14 : i64} {
  func.func @body(%arg0: i32, %arg1: memref<2x256x128xf32, #tpu.memory_space<vmem>>, %arg2: memref<256x1xf32, #tpu.memory_space<vmem>>, %arg3: memref<1x256xf32, #tpu.memory_space<vmem>>, %arg4: memref<256x256xf32, #tpu.memory_space<vmem>>, %arg5: memref<256x256xf32, #tpu.memory_space<vmem>>, %arg6: memref<256x128xf32, #tpu.memory_space<vmem>>, %arg7: memref<256x128xf32, #tpu.memory_space<vmem>>, %arg8: memref<256x128xf32, #tpu.memory_space<vmem>>, %arg9: memref<256x128xf32, #tpu.memory_space<vmem>>) attributes {dimension_semantics = [#tpu.dimension_semantics<arbitrary>], iteration_bounds = array<i64: 40>, scalar_prefetch = 0 : i64, scratch_operands = 0 : i64, tpu.core_type = #tpu.core_type<tc>, window_params = [{transform_indices = @transform_0, window_bounds = array<i64: 2, 256, 128>}, {transform_indices = @transform_1, window_bounds = array<i64: 256, 1>}, {pipeline_mode = #tpu.pipeline_mode<synchronous>, transform_indices = @transform_2, window_bounds = array<i64: 1, 256>}, {pipeline_mode = #tpu.pipeline_mode<synchronous>, transform_indices = @transform_3, window_bounds = array<i64: 256, 256>}, {pipeline_mode = #tpu.pipeline_mode<synchronous>, transform_indices = @transform_4, window_bounds = array<i64: 256, 256>}, {transform_indices = @transform_5, window_bounds = array<i64: 256, 128>}, {transform_indices = @transform_6, window_bounds = array<i64: 256, 128>}, {transform_indices = @transform_7, window_bounds = array<i64: 256, 128>}, {transform_indices = @transform_8, window_bounds = array<i64: 256, 128>}]} {
    %get3A = arith.constant 0 : index
    %get3A_0 = arith.constant 0 : index
    %get3A_1 = vector.load %arg2[%get3A, %get3A_0] : memref<256x1xf32, #tpu.memory_space<vmem>>, vector<256x1xf32>
    %get3A_2 = arith.constant 0 : index
    %get3A_3 = arith.constant 0 : index
    %get3A_4 = arith.constant 0 : index
    %get3A_5 = vector.load %arg1[%get3A_2, %get3A_3, %get3A_4] : memref<2x256x128xf32, #tpu.memory_space<vmem>>, vector<1x256x128xf32>
    %get3A_6 = vector.shape_cast %get3A_5 : vector<1x256x128xf32> to vector<256x128xf32>
    %get3A_7 = arith.constant 1 : index
    %get3A_8 = arith.constant 0 : index
    %get3A_9 = arith.constant 0 : index
    %get3A_10 = vector.load %arg1[%get3A_7, %get3A_8, %get3A_9] : memref<2x256x128xf32, #tpu.memory_space<vmem>>, vector<1x256x128xf32>
    %get3A_11 = vector.shape_cast %get3A_10 : vector<1x256x128xf32> to vector<256x128xf32>
    %concatenate3A = tpu.concatenate %get3A_6, %get3A_11 in 1 : vector<256x128xf32>, vector<256x128xf32> -> vector<256x256xf32>
    %mul3A = vector.broadcast %get3A_1 : vector<256x1xf32> to vector<256x256xf32>
    %mul3A_12 = arith.mulf %mul3A, %concatenate3A : vector<256x256xf32>
    %get3A_13 = arith.constant 0 : index
    %get3A_14 = arith.constant 0 : index
    %get3A_15 = vector.load %arg3[%get3A_13, %get3A_14] : memref<1x256xf32, #tpu.memory_space<vmem>>, vector<1x256xf32>
    %add3A = vector.broadcast %get3A_15 : vector<1x256xf32> to vector<256x256xf32>
    %add3A_16 = arith.addf %mul3A_12, %add3A : vector<256x256xf32>
    %max3A = arith.constant 0.000000e+00 : f32
    %max3A_17 = vector.broadcast %max3A : f32 to vector<256x256xf32>
    %max3A_18 = arith.maximumf %add3A_16, %max3A_17 : vector<256x256xf32>
    %get3A_19 = arith.constant 0 : index
    %get3A_20 = arith.constant 0 : index
    %get3A_21 = vector.load %arg4[%get3A_19, %get3A_20] : memref<256x256xf32, #tpu.memory_space<vmem>>, vector<256x256xf32>
    %dot_general3A = arith.constant dense<0.000000e+00> : vector<256x256xf32>
    %dot_general3A_22 = tpu.matmul %max3A_18, %get3A_21, %dot_general3A {dimension_numbers = #tpu.dot_dimension_numbers<[1], [0], [0], [1], [0, 0, 1, 1], [], []>, transpose_lhs_hint = false} : vector<256x256xf32>, vector<256x256xf32>, vector<256x256xf32> -> vector<256x256xf32>
    %get3A_23 = arith.constant 0 : index
    %get3A_24 = arith.constant 0 : index
    %get3A_25 = vector.load %arg5[%get3A_23, %get3A_24] : memref<256x256xf32, #tpu.memory_space<vmem>>, vector<256x256xf32>
    %dot_general3A_26 = arith.constant dense<0.000000e+00> : vector<256x256xf32>
    %dot_general3A_27 = tpu.matmul %max3A_18, %get3A_25, %dot_general3A_26 {dimension_numbers = #tpu.dot_dimension_numbers<[1], [0], [0], [1], [0, 0, 1, 1], [], []>, transpose_lhs_hint = false} : vector<256x256xf32>, vector<256x256xf32>, vector<256x256xf32> -> vector<256x256xf32>
    %slice3A = vector.extract_strided_slice %dot_general3A_22 {offsets = [0, 0], sizes = [256, 128], strides = [1, 1]} : vector<256x256xf32> to vector<256x128xf32>
    %swap3A = arith.constant 0 : index
    %swap3A_28 = arith.constant 0 : index
    %swap3A_29 = vector.load %arg6[%swap3A, %swap3A_28] : memref<256x128xf32, #tpu.memory_space<vmem>>, vector<256x128xf32>
    tpu.vector_store %arg6[%swap3A, %swap3A_28], %slice3A {strides = array<i32>} : memref<256x128xf32, #tpu.memory_space<vmem>>, vector<256x128xf32>,
    %slice3A_30 = vector.extract_strided_slice %dot_general3A_22 {offsets = [0, 128], sizes = [256, 128], strides = [1, 1]} : vector<256x256xf32> to vector<256x128xf32>
    %swap3A_31 = arith.constant 0 : index
    %swap3A_32 = arith.constant 0 : index
    %swap3A_33 = vector.load %arg7[%swap3A_31, %swap3A_32] : memref<256x128xf32, #tpu.memory_space<vmem>>, vector<256x128xf32>
    tpu.vector_store %arg7[%swap3A_31, %swap3A_32], %slice3A_30 {strides = array<i32>} : memref<256x128xf32, #tpu.memory_space<vmem>>, vector<256x128xf32>,
    %slice3A_34 = vector.extract_strided_slice %dot_general3A_27 {offsets = [0, 0], sizes = [256, 128], strides = [1, 1]} : vector<256x256xf32> to vector<256x128xf32>
    %swap3A_35 = arith.constant 0 : index
    %swap3A_36 = arith.constant 0 : index
    %swap3A_37 = vector.load %arg8[%swap3A_35, %swap3A_36] : memref<256x128xf32, #tpu.memory_space<vmem>>, vector<256x128xf32>
    tpu.vector_store %arg8[%swap3A_35, %swap3A_36], %slice3A_34 {strides = array<i32>} : memref<256x128xf32, #tpu.memory_space<vmem>>, vector<256x128xf32>,
    %slice3A_38 = vector.extract_strided_slice %dot_general3A_27 {offsets = [0, 128], sizes = [256, 128], strides = [1, 1]} : vector<256x256xf32> to vector<256x128xf32>
    %swap3A_39 = arith.constant 0 : index
    %swap3A_40 = arith.constant 0 : index
    %swap3A_41 = vector.load %arg9[%swap3A_39, %swap3A_40] : memref<256x128xf32, #tpu.memory_space<vmem>>, vector<256x128xf32>
    tpu.vector_store %arg9[%swap3A_39, %swap3A_40], %slice3A_38 {strides = array<i32>} : memref<256x128xf32, #tpu.memory_space<vmem>>, vector<256x128xf32>,
    return
  }
  func.func @transform_0(%arg0: i32) -> (i32, i32, i32) {
    %c0_i32 = arith.constant 0 : i32
    %c0_i32_0 = arith.constant 0 : i32
    %c0_i32_1 = arith.constant 0 : i32
    return %c0_i32, %arg0, %c0_i32_0 : i32, i32, i32
  }
  func.func @transform_1(%arg0: i32) -> (i32, i32) {
    %c0_i32 = arith.constant 0 : i32
    %c0_i32_0 = arith.constant 0 : i32
    return %arg0, %c0_i32 : i32, i32
  }
  func.func @transform_2(%arg0: i32) -> (i32, i32) {
    %c0_i32 = arith.constant 0 : i32
    %c0_i32_0 = arith.constant 0 : i32
    %c0_i32_1 = arith.constant 0 : i32
    return %c0_i32, %c0_i32_0 : i32, i32
  }
  func.func @transform_3(%arg0: i32) -> (i32, i32) {
    %c0_i32 = arith.constant 0 : i32
    %c0_i32_0 = arith.constant 0 : i32
    %c0_i32_1 = arith.constant 0 : i32
    return %c0_i32, %c0_i32_0 : i32, i32
  }
  func.func @transform_4(%arg0: i32) -> (i32, i32) {
    %c0_i32 = arith.constant 0 : i32
    %c0_i32_0 = arith.constant 0 : i32
    %c0_i32_1 = arith.constant 0 : i32
    return %c0_i32, %c0_i32_0 : i32, i32
  }
  func.func @transform_5(%arg0: i32) -> (i32, i32) {
    %c0_i32 = arith.constant 0 : i32
    %c0_i32_0 = arith.constant 0 : i32
    return %arg0, %c0_i32 : i32, i32
  }
  func.func @transform_6(%arg0: i32) -> (i32, i32) {
    %c0_i32 = arith.constant 0 : i32
    %c0_i32_0 = arith.constant 0 : i32
    return %arg0, %c0_i32 : i32, i32
  }
  func.func @transform_7(%arg0: i32) -> (i32, i32) {
    %c0_i32 = arith.constant 0 : i32
    %c0_i32_0 = arith.constant 0 : i32
    return %arg0, %c0_i32 : i32, i32
  }
  func.func @transform_8(%arg0: i32) -> (i32, i32) {
    %c0_i32 = arith.constant 0 : i32
    %c0_i32_0 = arith.constant 0 : i32
    return %arg0, %c0_i32 : i32, i32
  }
}

module attributes {stable_mosaic.version = 14 : i64} {
  func.func @body(%arg0: i32, %arg1: memref<2x256x128xf32, #tpu.memory_space<vmem>>, %arg2: memref<256x1xf32, #tpu.memory_space<vmem>>, %arg3: memref<1x128xf32, #tpu.memory_space<vmem>>, %arg4: memref<128x256xf32, #tpu.memory_space<vmem>>, %arg5: memref<256x128xf32, #tpu.memory_space<vmem>>, %arg6: memref<256x128xf32, #tpu.memory_space<vmem>>) attributes {dimension_semantics = [#tpu.dimension_semantics<arbitrary>], iteration_bounds = array<i64: 40>, scalar_prefetch = 0 : i64, scratch_operands = 0 : i64, tpu.core_type = #tpu.core_type<tc>, window_params = [{transform_indices = @transform_0, window_bounds = array<i64: 2, 256, 128>}, {transform_indices = @transform_1, window_bounds = array<i64: 256, 1>}, {pipeline_mode = #tpu.pipeline_mode<synchronous>, transform_indices = @transform_2, window_bounds = array<i64: 1, 128>}, {pipeline_mode = #tpu.pipeline_mode<synchronous>, transform_indices = @transform_3, window_bounds = array<i64: 128, 256>}, {transform_indices = @transform_4, window_bounds = array<i64: 256, 128>}, {transform_indices = @transform_5, window_bounds = array<i64: 256, 128>}]} {
    %get3A = arith.constant 0 : index
    %get3A_0 = arith.constant 0 : index
    %get3A_1 = vector.load %arg2[%get3A, %get3A_0] : memref<256x1xf32, #tpu.memory_space<vmem>>, vector<256x1xf32>
    %get3A_2 = arith.constant 0 : index
    %get3A_3 = arith.constant 0 : index
    %get3A_4 = arith.constant 0 : index
    %get3A_5 = vector.load %arg1[%get3A_2, %get3A_3, %get3A_4] : memref<2x256x128xf32, #tpu.memory_space<vmem>>, vector<1x256x128xf32>
    %get3A_6 = vector.shape_cast %get3A_5 : vector<1x256x128xf32> to vector<256x128xf32>
    %get3A_7 = arith.constant 1 : index
    %get3A_8 = arith.constant 0 : index
    %get3A_9 = arith.constant 0 : index
    %get3A_10 = vector.load %arg1[%get3A_7, %get3A_8, %get3A_9] : memref<2x256x128xf32, #tpu.memory_space<vmem>>, vector<1x256x128xf32>
    %get3A_11 = vector.shape_cast %get3A_10 : vector<1x256x128xf32> to vector<256x128xf32>
    %add3A = arith.addf %get3A_6, %get3A_11 : vector<256x128xf32>
    %mul3A = vector.broadcast %get3A_1 : vector<256x1xf32> to vector<256x128xf32>
    %mul3A_12 = arith.mulf %mul3A, %add3A : vector<256x128xf32>
    %get3A_13 = arith.constant 0 : index
    %get3A_14 = arith.constant 0 : index
    %get3A_15 = vector.load %arg3[%get3A_13, %get3A_14] : memref<1x128xf32, #tpu.memory_space<vmem>>, vector<1x128xf32>
    %add3A_16 = vector.broadcast %get3A_15 : vector<1x128xf32> to vector<256x128xf32>
    %add3A_17 = arith.addf %mul3A_12, %add3A_16 : vector<256x128xf32>
    %max3A = arith.constant 0.000000e+00 : f32
    %max3A_18 = vector.broadcast %max3A : f32 to vector<256x128xf32>
    %max3A_19 = arith.maximumf %add3A_17, %max3A_18 : vector<256x128xf32>
    %get3A_20 = arith.constant 0 : index
    %get3A_21 = arith.constant 0 : index
    %get3A_22 = vector.load %arg4[%get3A_20, %get3A_21] : memref<128x256xf32, #tpu.memory_space<vmem>>, vector<128x256xf32>
    %dot_general3A = arith.constant dense<0.000000e+00> : vector<256x256xf32>
    %dot_general3A_23 = tpu.matmul %max3A_19, %get3A_22, %dot_general3A {dimension_numbers = #tpu.dot_dimension_numbers<[1], [0], [0], [1], [0, 0, 1, 1], [], []>, transpose_lhs_hint = false} : vector<256x128xf32>, vector<128x256xf32>, vector<256x256xf32> -> vector<256x256xf32>
    %mul3A_24 = vector.broadcast %get3A_1 : vector<256x1xf32> to vector<256x256xf32>
    %mul3A_25 = arith.mulf %dot_general3A_23, %mul3A_24 : vector<256x256xf32>
    %slice3A = vector.extract_strided_slice %mul3A_25 {offsets = [0, 0], sizes = [256, 128], strides = [1, 1]} : vector<256x256xf32> to vector<256x128xf32>
    %swap3A = arith.constant 0 : index
    %swap3A_26 = arith.constant 0 : index
    %swap3A_27 = vector.load %arg5[%swap3A, %swap3A_26] : memref<256x128xf32, #tpu.memory_space<vmem>>, vector<256x128xf32>
    tpu.vector_store %arg5[%swap3A, %swap3A_26], %slice3A {strides = array<i32>} : memref<256x128xf32, #tpu.memory_space<vmem>>, vector<256x128xf32>,
    %slice3A_28 = vector.extract_strided_slice %mul3A_25 {offsets = [0, 128], sizes = [256, 128], strides = [1, 1]} : vector<256x256xf32> to vector<256x128xf32>
    %swap3A_29 = arith.constant 0 : index
    %swap3A_30 = arith.constant 0 : index
    %swap3A_31 = vector.load %arg6[%swap3A_29, %swap3A_30] : memref<256x128xf32, #tpu.memory_space<vmem>>, vector<256x128xf32>
    tpu.vector_store %arg6[%swap3A_29, %swap3A_30], %slice3A_28 {strides = array<i32>} : memref<256x128xf32, #tpu.memory_space<vmem>>, vector<256x128xf32>,
    return
  }
  func.func @transform_0(%arg0: i32) -> (i32, i32, i32) {
    %c0_i32 = arith.constant 0 : i32
    %c0_i32_0 = arith.constant 0 : i32
    %c0_i32_1 = arith.constant 0 : i32
    return %c0_i32, %arg0, %c0_i32_0 : i32, i32, i32
  }
  func.func @transform_1(%arg0: i32) -> (i32, i32) {
    %c0_i32 = arith.constant 0 : i32
    %c0_i32_0 = arith.constant 0 : i32
    return %arg0, %c0_i32 : i32, i32
  }
  func.func @transform_2(%arg0: i32) -> (i32, i32) {
    %c0_i32 = arith.constant 0 : i32
    %c0_i32_0 = arith.constant 0 : i32
    %c0_i32_1 = arith.constant 0 : i32
    return %c0_i32, %c0_i32_0 : i32, i32
  }
  func.func @transform_3(%arg0: i32) -> (i32, i32) {
    %c0_i32 = arith.constant 0 : i32
    %c0_i32_0 = arith.constant 0 : i32
    %c0_i32_1 = arith.constant 0 : i32
    return %c0_i32, %c0_i32_0 : i32, i32
  }
  func.func @transform_4(%arg0: i32) -> (i32, i32) {
    %c0_i32 = arith.constant 0 : i32
    %c0_i32_0 = arith.constant 0 : i32
    return %arg0, %c0_i32 : i32, i32
  }
  func.func @transform_5(%arg0: i32) -> (i32, i32) {
    %c0_i32 = arith.constant 0 : i32
    %c0_i32_0 = arith.constant 0 : i32
    return %arg0, %c0_i32 : i32, i32
  }
}

module attributes {stable_mosaic.version = 14 : i64} {
  func.func @body(%arg0: i32, %arg1: memref<2x512x128xf32, #tpu.memory_space<vmem>>, %arg2: memref<512x2xf32, #tpu.memory_space<vmem>>, %arg3: memref<2x256xf32, #tpu.memory_space<vmem>>, %arg4: memref<1x256xf32, #tpu.memory_space<vmem>>, %arg5: memref<256x128xf32, #tpu.memory_space<vmem>>, %arg6: memref<1x128xf32, #tpu.memory_space<vmem>>, %arg7: memref<128x64xf32, #tpu.memory_space<vmem>>, %arg8: memref<1x64xf32, #tpu.memory_space<vmem>>, %arg9: memref<64x1xf32, #tpu.memory_space<vmem>>, %arg10: memref<1x1xf32, #tpu.memory_space<vmem>>, %arg11: memref<512x1xf32, #tpu.memory_space<vmem>>) attributes {dimension_semantics = [#tpu.dimension_semantics<arbitrary>], iteration_bounds = array<i64: 625>, scalar_prefetch = 0 : i64, scratch_operands = 0 : i64, tpu.core_type = #tpu.core_type<tc>, window_params = [{transform_indices = @transform_0, window_bounds = array<i64: 2, 512, 128>}, {transform_indices = @transform_1, window_bounds = array<i64: 512, 2>}, {pipeline_mode = #tpu.pipeline_mode<synchronous>, transform_indices = @transform_2, window_bounds = array<i64: 2, 256>}, {pipeline_mode = #tpu.pipeline_mode<synchronous>, transform_indices = @transform_3, window_bounds = array<i64: 1, 256>}, {pipeline_mode = #tpu.pipeline_mode<synchronous>, transform_indices = @transform_4, window_bounds = array<i64: 256, 128>}, {pipeline_mode = #tpu.pipeline_mode<synchronous>, transform_indices = @transform_5, window_bounds = array<i64: 1, 128>}, {pipeline_mode = #tpu.pipeline_mode<synchronous>, transform_indices = @transform_6, window_bounds = array<i64: 128, 64>}, {pipeline_mode = #tpu.pipeline_mode<synchronous>, transform_indices = @transform_7, window_bounds = array<i64: 1, 64>}, {pipeline_mode = #tpu.pipeline_mode<synchronous>, transform_indices = @transform_8, window_bounds = array<i64: 64, 1>}, {pipeline_mode = #tpu.pipeline_mode<synchronous>, transform_indices = @transform_9, window_bounds = array<i64: 1, 1>}, {transform_indices = @transform_10, window_bounds = array<i64: 512, 1>}]} {
    %get3A = arith.constant 0 : index
    %get3A_0 = arith.constant 0 : index
    %get3A_1 = arith.constant 0 : index
    %get3A_2 = vector.load %arg1[%get3A, %get3A_0, %get3A_1] : memref<2x512x128xf32, #tpu.memory_space<vmem>>, vector<1x512x128xf32>
    %get3A_3 = vector.shape_cast %get3A_2 : vector<1x512x128xf32> to vector<512x128xf32>
    %get3A_4 = arith.constant 1 : index
    %get3A_5 = arith.constant 0 : index
    %get3A_6 = arith.constant 0 : index
    %get3A_7 = vector.load %arg1[%get3A_4, %get3A_5, %get3A_6] : memref<2x512x128xf32, #tpu.memory_space<vmem>>, vector<1x512x128xf32>
    %get3A_8 = vector.shape_cast %get3A_7 : vector<1x512x128xf32> to vector<512x128xf32>
    %concatenate3A = tpu.concatenate %get3A_3, %get3A_8 in 1 : vector<512x128xf32>, vector<512x128xf32> -> vector<512x256xf32>
    %get3A_9 = arith.constant 0 : index
    %get3A_10 = arith.constant 0 : index
    %get3A_11 = vector.load %arg2[%get3A_9, %get3A_10] : memref<512x2xf32, #tpu.memory_space<vmem>>, vector<512x2xf32>
    %slice3A = vector.extract_strided_slice %get3A_11 {offsets = [0, 0], sizes = [512, 1], strides = [1, 1]} : vector<512x2xf32> to vector<512x1xf32>
    %get3A_12 = arith.constant 0 : index
    %get3A_13 = arith.constant 0 : index
    %get3A_14 = vector.load %arg3[%get3A_12, %get3A_13] : memref<2x256xf32, #tpu.memory_space<vmem>>, vector<1x256xf32>
    %mul3A = vector.broadcast %slice3A : vector<512x1xf32> to vector<512x256xf32>
    %mul3A_15 = vector.broadcast %get3A_14 : vector<1x256xf32> to vector<512x256xf32>
    %mul3A_16 = arith.mulf %mul3A, %mul3A_15 : vector<512x256xf32>
    %add3A = arith.addf %concatenate3A, %mul3A_16 : vector<512x256xf32>
    %slice3A_17 = vector.extract_strided_slice %get3A_11 {offsets = [0, 1], sizes = [512, 1], strides = [1, 1]} : vector<512x2xf32> to vector<512x1xf32>
    %get3A_18 = arith.constant 1 : index
    %get3A_19 = arith.constant 0 : index
    %get3A_20 = vector.load %arg3[%get3A_18, %get3A_19] : memref<2x256xf32, #tpu.memory_space<vmem>>, vector<1x256xf32>
    %mul3A_21 = vector.broadcast %slice3A_17 : vector<512x1xf32> to vector<512x256xf32>
    %mul3A_22 = vector.broadcast %get3A_20 : vector<1x256xf32> to vector<512x256xf32>
    %mul3A_23 = arith.mulf %mul3A_21, %mul3A_22 : vector<512x256xf32>
    %add3A_24 = arith.addf %add3A, %mul3A_23 : vector<512x256xf32>
    %get3A_25 = arith.constant 0 : index
    %get3A_26 = arith.constant 0 : index
    %get3A_27 = vector.load %arg4[%get3A_25, %get3A_26] : memref<1x256xf32, #tpu.memory_space<vmem>>, vector<1x256xf32>
    %add3A_28 = vector.broadcast %get3A_27 : vector<1x256xf32> to vector<512x256xf32>
    %add3A_29 = arith.addf %add3A_24, %add3A_28 : vector<512x256xf32>
    %max3A = arith.constant 0.000000e+00 : f32
    %max3A_30 = vector.broadcast %max3A : f32 to vector<512x256xf32>
    %max3A_31 = arith.maximumf %add3A_29, %max3A_30 : vector<512x256xf32>
    %get3A_32 = arith.constant 0 : index
    %get3A_33 = arith.constant 0 : index
    %get3A_34 = vector.load %arg5[%get3A_32, %get3A_33] : memref<256x128xf32, #tpu.memory_space<vmem>>, vector<256x128xf32>
    %dot_general3A = arith.constant dense<0.000000e+00> : vector<512x128xf32>
    %dot_general3A_35 = tpu.matmul %max3A_31, %get3A_34, %dot_general3A {dimension_numbers = #tpu.dot_dimension_numbers<[1], [0], [0], [1], [0, 0, 1, 1], [], []>, transpose_lhs_hint = false} : vector<512x256xf32>, vector<256x128xf32>, vector<512x128xf32> -> vector<512x128xf32>
    %get3A_36 = arith.constant 0 : index
    %get3A_37 = arith.constant 0 : index
    %get3A_38 = vector.load %arg6[%get3A_36, %get3A_37] : memref<1x128xf32, #tpu.memory_space<vmem>>, vector<1x128xf32>
    %add3A_39 = vector.broadcast %get3A_38 : vector<1x128xf32> to vector<512x128xf32>
    %add3A_40 = arith.addf %dot_general3A_35, %add3A_39 : vector<512x128xf32>
    %max3A_41 = arith.constant 0.000000e+00 : f32
    %max3A_42 = vector.broadcast %max3A_41 : f32 to vector<512x128xf32>
    %max3A_43 = arith.maximumf %add3A_40, %max3A_42 : vector<512x128xf32>
    %get3A_44 = arith.constant 0 : index
    %get3A_45 = arith.constant 0 : index
    %get3A_46 = vector.load %arg7[%get3A_44, %get3A_45] : memref<128x64xf32, #tpu.memory_space<vmem>>, vector<128x64xf32>
    %dot_general3A_47 = arith.constant dense<0.000000e+00> : vector<512x64xf32>
    %dot_general3A_48 = tpu.matmul %max3A_43, %get3A_46, %dot_general3A_47 {dimension_numbers = #tpu.dot_dimension_numbers<[1], [0], [0], [1], [0, 0, 1, 1], [], []>, transpose_lhs_hint = false} : vector<512x128xf32>, vector<128x64xf32>, vector<512x64xf32> -> vector<512x64xf32>
    %get3A_49 = arith.constant 0 : index
    %get3A_50 = arith.constant 0 : index
    %get3A_51 = vector.load %arg8[%get3A_49, %get3A_50] : memref<1x64xf32, #tpu.memory_space<vmem>>, vector<1x64xf32>
    %add3A_52 = vector.broadcast %get3A_51 : vector<1x64xf32> to vector<512x64xf32>
    %add3A_53 = arith.addf %dot_general3A_48, %add3A_52 : vector<512x64xf32>
    %max3A_54 = arith.constant 0.000000e+00 : f32
    %max3A_55 = vector.broadcast %max3A_54 : f32 to vector<512x64xf32>
    %max3A_56 = arith.maximumf %add3A_53, %max3A_55 : vector<512x64xf32>
    %get3A_57 = arith.constant 0 : index
    %get3A_58 = arith.constant 0 : index
    %get3A_59 = vector.load %arg9[%get3A_57, %get3A_58] : memref<64x1xf32, #tpu.memory_space<vmem>>, vector<64x1xf32>
    %dot_general3A_60 = arith.constant dense<0.000000e+00> : vector<512x1xf32>
    %dot_general3A_61 = tpu.matmul %max3A_56, %get3A_59, %dot_general3A_60 {dimension_numbers = #tpu.dot_dimension_numbers<[1], [0], [0], [1], [0, 0, 1, 1], [], []>, transpose_lhs_hint = false} : vector<512x64xf32>, vector<64x1xf32>, vector<512x1xf32> -> vector<512x1xf32>
    %get3A_62 = arith.constant 0 : index
    %get3A_63 = arith.constant 0 : index
    %get3A_64 = vector.load %arg10[%get3A_62, %get3A_63] : memref<1x1xf32, #tpu.memory_space<vmem>>, vector<1x1xf32>
    %add3A_65 = vector.broadcast %get3A_64 : vector<1x1xf32> to vector<512x1xf32>
    %add3A_66 = arith.addf %dot_general3A_61, %add3A_65 : vector<512x1xf32>
    %mul3A_67 = arith.constant 0.666666686 : f32
    %mul3A_68 = vector.broadcast %mul3A_67 : f32 to vector<512x1xf32>
    %mul3A_69 = arith.mulf %add3A_66, %mul3A_68 : vector<512x1xf32>
    %neg3A = arith.constant 0.000000e+00 : f32
    %neg3A_70 = vector.broadcast %neg3A : f32 to vector<512x1xf32>
    %neg3A_71 = arith.subf %neg3A_70, %mul3A_69 : vector<512x1xf32>
    %exp3A = math.exp %neg3A_71 : vector<512x1xf32>
    %add3A_72 = arith.constant 1.000000e+00 : f32
    %add3A_73 = vector.broadcast %add3A_72 : f32 to vector<512x1xf32>
    %add3A_74 = arith.addf %add3A_73, %exp3A : vector<512x1xf32>
    %div3A = arith.constant 1.000000e+00 : f32
    %div3A_75 = vector.broadcast %div3A : f32 to vector<512x1xf32>
    %div3A_76 = arith.divf %div3A_75, %add3A_74 : vector<512x1xf32>
    %swap3A = arith.constant 0 : index
    %swap3A_77 = arith.constant 0 : index
    %swap3A_78 = vector.load %arg11[%swap3A, %swap3A_77] : memref<512x1xf32, #tpu.memory_space<vmem>>, vector<512x1xf32>
    tpu.vector_store %arg11[%swap3A, %swap3A_77], %div3A_76 {strides = array<i32>} : memref<512x1xf32, #tpu.memory_space<vmem>>, vector<512x1xf32>,
    return
  }
  func.func @transform_0(%arg0: i32) -> (i32, i32, i32) {
    %c0_i32 = arith.constant 0 : i32
    %c0_i32_0 = arith.constant 0 : i32
    %c0_i32_1 = arith.constant 0 : i32
    return %c0_i32, %arg0, %c0_i32_0 : i32, i32, i32
  }
  func.func @transform_1(%arg0: i32) -> (i32, i32) {
    %c0_i32 = arith.constant 0 : i32
    %c0_i32_0 = arith.constant 0 : i32
    return %arg0, %c0_i32 : i32, i32
  }
  func.func @transform_2(%arg0: i32) -> (i32, i32) {
    %c0_i32 = arith.constant 0 : i32
    %c0_i32_0 = arith.constant 0 : i32
    %c0_i32_1 = arith.constant 0 : i32
    return %c0_i32, %c0_i32_0 : i32, i32
  }
  func.func @transform_3(%arg0: i32) -> (i32, i32) {
    %c0_i32 = arith.constant 0 : i32
    %c0_i32_0 = arith.constant 0 : i32
    %c0_i32_1 = arith.constant 0 : i32
    return %c0_i32, %c0_i32_0 : i32, i32
  }
  func.func @transform_4(%arg0: i32) -> (i32, i32) {
    %c0_i32 = arith.constant 0 : i32
    %c0_i32_0 = arith.constant 0 : i32
    %c0_i32_1 = arith.constant 0 : i32
    return %c0_i32, %c0_i32_0 : i32, i32
  }
  func.func @transform_5(%arg0: i32) -> (i32, i32) {
    %c0_i32 = arith.constant 0 : i32
    %c0_i32_0 = arith.constant 0 : i32
    %c0_i32_1 = arith.constant 0 : i32
    return %c0_i32, %c0_i32_0 : i32, i32
  }
  func.func @transform_6(%arg0: i32) -> (i32, i32) {
    %c0_i32 = arith.constant 0 : i32
    %c0_i32_0 = arith.constant 0 : i32
    %c0_i32_1 = arith.constant 0 : i32
    return %c0_i32, %c0_i32_0 : i32, i32
  }
  func.func @transform_7(%arg0: i32) -> (i32, i32) {
    %c0_i32 = arith.constant 0 : i32
    %c0_i32_0 = arith.constant 0 : i32
    %c0_i32_1 = arith.constant 0 : i32
    return %c0_i32, %c0_i32_0 : i32, i32
  }
  func.func @transform_8(%arg0: i32) -> (i32, i32) {
    %c0_i32 = arith.constant 0 : i32
    %c0_i32_0 = arith.constant 0 : i32
    %c0_i32_1 = arith.constant 0 : i32
    return %c0_i32, %c0_i32_0 : i32, i32
  }
  func.func @transform_9(%arg0: i32) -> (i32, i32) {
    %c0_i32 = arith.constant 0 : i32
    %c0_i32_0 = arith.constant 0 : i32
    %c0_i32_1 = arith.constant 0 : i32
    return %c0_i32, %c0_i32_0 : i32, i32
  }
  func.func @transform_10(%arg0: i32) -> (i32, i32) {
    %c0_i32 = arith.constant 0 : i32
    %c0_i32_0 = arith.constant 0 : i32
    return %arg0, %c0_i32 : i32, i32
  }
}

</mosaic_0001>

<sc_bundles>
// kernel: kernel.10.cloned.1.call-start
scs
__scs_entry_jumppad:
0x0: {  	(pc) =	sbr.rel $0x88, $3  }
0x1: {  	(tag) =	ssettag $0x0;
	lr =	simm.s32 $0x1  }
0x2: {  	[smem:$0x3F92] =	sst lr;
	_ =	strace $0xD0000000  }
0x3: {  	_ = 	snop  }
0x4: {  	_ = 	snop  }
0x5: {  	_ = 	snop  }
0x6: {  	_ = 	snop  }
0x7: {  	_ = 	snop  }
__scs_overlays_trampoline_lowered:
0x8: {  	[smem:$0x3FA1] =	sst s0  }
0x9: {  	[smem:$0x3FA2] =	sst s1  }
0xa: {  	[smem:$0x3FA3] =	sst s2  }
0xb: {  	[smem:$0x3FA4] =	sst s3  }
0xc: {  	[smem:$0x3FA5] =	sst s4  }
0xd: {  	[smem:$0x3FA6] =	sst s5  }
0xe: {  	[smem:$0x3FA7] =	sst s6  }
0xf: {  	[smem:$0x3FA8] =	sst s7  }
0x10: {  	[smem:$0x3FA9] =	sst s8  }
0x11: {  	[smem:$0x3FAA] =	sst s9;
	s0 =	simm.s32 @!p0 $0x0  }
0x12: {  	s1 =	sld [smem:$0x3F90];
	s0 =	simm.s32 @p0 $0x1  }
0x13: {  	[smem:$0x3FAB] =	sst s0;
	s0 =	simm.s32 @!p1 $0x0  }
0x14: {  	s2 =	sld [smem:$0x3F8F];
	s0 =	simm.s32 @p1 $0x1  }
0x15: {  	[smem:$0x3FAC] =	sst s0;
	s0 =	simm.s32 @!p2 $0x0  }
0x16: {  	s3 =	sld [smem:$0x3FDB];
	s0 =	simm.s32 @p2 $0x1  }
0x17: {  	s4 =	simm.s32 $0x1BF5;
	[smem:$0x3FAE] =	sst s0  }
0x18: {  	s0 =	sld [smem:$0x3F91];
	_ =	swait.ge [sflag:s4], $0x0  }
0x19: {  	s7 =	sld [smem:$0x3F92]  }
0x1a: {  	s8 =	sadd.s32 $0xFFFFE003, lr  }
0x1b: {  	s9 =	sadd.s32 $0xFFFFFEF7, lr;
	s5 =	simm.s32 $0xFFFFFFFF;
	p2 =	slt.u32 s8, $0xFFFFF086  }
0x1c: {  	p1 =	slt.u32 s9, $0xF7A;
	s5 =	simm.s32 @!p2 $0x0  }
0x1d: {  	s5 =	simm.s32 @p1 $0x1;
	p0 =	seq.s32 s7, s2  }
0x1e: {  	s7 =	smul.u32 @!p0 $0xF7A, s2;
	p2 =	seq.s32 @!p0 s5, $0x0  }
0x1f: {  	s9 =	smul.u32 $0xF7A, s1;
	s8 =	simm.s32 @!p0 $0x1BF5;
	p2 =	por !p2, p0  }
0x20: {  	[sflag:s8] =	ssyncset.s32 @!p0 $0xFFFFF086;
	s6 =	sadd.s32 @!p0 s3, s7;
	s7 =	simm.s32 @!p0 $0x108  }
0x21: {  	s3 =	sadd.s32 s3, s9;
	s6 =	sadd.s32 @!p0 $0x88, s6;
	s7 =	simm.s32 @p2 $0x1082  }
0x22: {  	[simem:s7], [sflag:s8] =	dma.local @!p0 [hbm:s6], $0xF7A  }
0x23: {  	s9 =	sor.u32 $0xD0000000, s2;
	s6 =	simm.s32 $0x108;
	_ =	swait.ge @!p0 [sflag:s8], $0x0  }
0x24: {  	s3 =	sadd.s32 $0x88, s3;
	s6 =	simm.s32 @!p1 $0x1082;
	[sflag:s4] =	ssyncset.s32 $0xFFFFF086  }
0x25: {  	[simem:s6], [sflag:s4] =	dma.local [hbm:s3], $0xF7A  }
0x26: {  	[smem:$0x3F92] =	sst s1;
	(tag) =	ssettag s2;
	_ =	strace s9  }
0x27: {  	s1 =	sld [smem:$0x3FA2]  }
0x28: {  	s2 =	sld [smem:$0x3FA3]  }
0x29: {  	s4 =	sld [smem:$0x3FA5]  }
0x2a: {  	p0 =	seq.s32 s5, $0x0;
	s5 =	sld [smem:$0x3FA6]  }
0x2b: {  	s6 =	sld [smem:$0x3FA7]  }
0x2c: {  	s7 =	sld [smem:$0x3FA8]  }
0x2d: {  	s3 =	simm.s32 $0x108;
	s8 =	sld [smem:$0x3FA9]  }
0x2e: {  	s3 =	simm.s32 @!p0 $0x1082;
	s9 =	sld [smem:$0x3FAA]  }
0x2f: {  	lr =	sadd.s32 s0, s3;
	s0 =	sld [smem:$0x3FA1]  }
0x30: {  	s3 =	sld [smem:$0x3FA4]  }
0x31: {  	[smem:$0x3FAD] =	sst s10  }
0x32: {  	s10 =	sld [smem:$0x3FAB];
	_ =	sdelay $0x3  }
0x33: {  	p0 =	seq.s32 s10, $0x1;
	s10 =	sld [smem:$0x3FAD];
	_ =	sdelay $0x3  }
0x34: {  	[smem:$0x3FAD] =	sst s10  }
0x35: {  	s10 =	sld [smem:$0x3FAC];
	_ =	sdelay $0x3  }
0x36: {  	p1 =	seq.s32 s10, $0x1;
	s10 =	sld [smem:$0x3FAD];
	_ =	sdelay $0x3  }
0x37: {  	[smem:$0x3FAD] =	sst s10  }
0x38: {  	s10 =	sld [smem:$0x3FAE]  }
0x39: {  	_ = 	snop;
	(pc) =	sbr.ind lr, $3  }
0x3a: {  	_ = 	snop  }
0x3b: {  	_ = 	snop  }
0x3c: {  	p2 =	seq.s32 s10, $0x1;
	s10 =	sld [smem:$0x3FAD]  }
0x3d: {  	_ =	shalt  }
0x3e: {  	_ =	shalt  }
0x3f: {  	_ =	shalt  }
0x40: {  	_ =	shalt  }
0x41: {  	_ =	shalt  }
0x42: {  	_ =	shalt  }
0x43: {  	_ =	shalt  }
0x44: {  	_ =	shalt  }
0x45: {  	_ =	shalt  }
0x46: {  	_ =	shalt  }
0x47: {  	_ =	shalt  }
0x48: {  	_ =	shalt  }
0x49: {  	_ =	shalt  }
0x4a: {  	_ =	shalt  }
0x4b: {  	_ =	shalt  }
0x4c: {  	_ =	shalt  }
0x4d: {  	_ =	shalt  }
0x4e: {  	_ =	shalt  }
0x4f: {  	_ =	shalt  }
0x50: {  	_ =	shalt  }
0x51: {  	_ =	shalt  }
0x52: {  	_ =	shalt  }
0x53: {  	_ =	shalt  }
0x54: {  	_ =	shalt  }
0x55: {  	_ =	shalt  }
0x56: {  	_ =	shalt  }
0x57: {  	_ =	shalt  }
0x58: {  	_ =	shalt  }
0x59: {  	_ =	shalt  }
0x5a: {  	_ =	shalt  }
0x5b: {  	_ =	shalt  }
0x5c: {  	_ =	shalt  }
0x5d: {  	_ =	shalt  }
0x5e: {  	_ =	shalt  }
0x5f: {  	_ =	shalt  }
0x60: {  	_ =	shalt  }
0x61: {  	_ =	shalt  }
0x62: {  	_ =	shalt  }
0x63: {  	_ =	shalt  }
0x64: {  	_ =	shalt  }
0x65: {  	_ =	shalt  }
0x66: {  	_ =	shalt  }
0x67: {  	_ =	shalt  }
0x68: {  	_ =	shalt  }
0x69: {  	_ =	shalt  }
0x6a: {  	_ =	shalt  }
0x6b: {  	_ =	shalt  }
0x6c: {  	_ =	shalt  }
0x6d: {  	_ =	shalt  }
0x6e: {  	_ =	shalt  }
0x6f: {  	_ =	shalt  }
0x70: {  	_ =	shalt  }
0x71: {  	_ =	shalt  }
0x72: {  	_ =	shalt  }
0x73: {  	_ =	shalt  }
0x74: {  	_ =	shalt  }
0x75: {  	_ =	shalt  }
0x76: {  	_ =	shalt  }
0x77: {  	_ =	shalt  }
0x78: {  	_ =	shalt  }
0x79: {  	_ =	shalt  }
0x7a: {  	_ =	shalt  }
0x7b: {  	_ =	shalt  }
0x7c: {  	_ =	shalt  }
0x7d: {  	_ =	shalt  }
0x7e: {  	_ =	shalt  }
0x7f: {  	_ =	shalt  }
0x80: {  	_ =	shalt  }
0x81: {  	_ =	shalt  }
0x82: {  	_ =	shalt  }
0x83: {  	_ =	shalt  }
0x84: {  	_ =	shalt  }
0x85: {  	_ =	shalt  }
0x86: {  	_ =	shalt  }
0x87: {  	_ =	shalt  }
.Lfunc_end0:
.L_simem_size_0:
called_computation_lowered:
.L_overlay_start_0:
0x88: {  	s2 =	sld [smem:$0x3FD9]  }
0x89: {  	s3 =	sld [smem:$0x3FFE];
	_ =	sdelay $0x1  }
0x8a: {  	s1 =	srdreg.scid  }
0x8b: {  	s0 =	sand.u32 $0x1, s1  }
0x8c: {  	s17 =	sshll.u32 s0, $0xA;
	s2 =	sadd.s32 s3, s2  }
0x8d: {  	s2 =	sadd.s32 s2, s17  }
0x8e: {  	[smem:$0x3FB9] =	sst s2  }
0x8f: {  	_ = 	snop  }
0x90: {  	s2 =	sld [smem:$0x3FD0];
	(tm) =	ssettm $0x1  }
0x91: {  	s18 =	sld [smem:$0x3FFB];
	_ =	sdelay $0x3  }
0x92: {  	_ =	strace s18  }
0x93: {  	s3 =	sld [smem:$0x3FFC];
	_ =	sdelay $0x3  }
0x94: {  	_ =	strace s3  }
0x95: {  	s3 =	sld [smem:$0x3FFD];
	_ =	sdelay $0x3  }
0x96: {  	_ =	strace s3  }
0x97: {  	_ =	strace $0x8FFFFFFF  }
0x98: {  	s19 =	sld [smem:$0x3FDB];
	_ =	sdelay $0x1  }
0x99: {  	s4 =	simm.s32 $_scs_section_size  }
0x9a: {  	s5 =	simm.s32 $_size__tile_overlayer_lowered;
	s6 =	simm.s32 $_tile_overlayer_lowered  }
0x9b: {  	s22 =	simm.s32 $0x1BFF;
	s21 =	sshll.u32 s6, $0x1;
	s3 =	sadd.s32 s4, s19  }
0x9c: {  	s7 =	simm.s32 $0x0;
	s20 =	sshll.u32 s5, $0x1;
	s5 =	sadd.s32 s21, s3  }
0x9d: {  	[timem:s7], [sflag:s22] =	dma.local [hbm:s5], s20  }
0x9e: {  	_ =	swait.ge [sflag:s22], s20  }
0x9f: {  	s4 =	ssub.s32 $0x0, s20;
	[sflag:s22] =	ssyncset.done $0x0  }
0xa0: {  	[sflag:s22] =	ssyncadd.s32 s4;
	_ =	sdelay $0x1  }
0xa1: {  	s23 =	simm.s32 $0x1B8B  }
0xa2: {  	_ =	swait.ge [sflag:s23], $0x1  }
0xa3: {  	[sflag:s23] =	ssyncset.done $0x0  }
0xa4: {  	s25 =	simm.s32 $0x1B8E;
	s24 =	sld [smem:$0x3FFE];
	[sflag:s23] =	ssyncadd.s32 $0xFFFFFFFF  }
0xa5: {  	s26 =	simm.s32 $execute0_lowered;
	[smem:$0x3FD2] =	sst s25  }
0xa6: {  	s5 =	sshll.u32 s26, $0x1;
	_ =	strace $0x80000046;
	[dreg:$0x1] =	wrdreg $0xFFFFFFFF  }
0xa7: {  	s28 =	simm.s32 $_size_execute0_lowered;
	s3 =	sadd.s32 s3, s5;
	[dreg:$0x0] =	wrdreg $0x0  }
0xa8: {  	s5 =	sshll.u32 s28, $0x1;
	[dreg:$0x2] =	wrdreg s3  }
0xa9: {  	[dreg:$0x3] =	wrdreg s5  }
0xaa: {  	[dreg:$0x4] =	wrdreg $0xC0  }
0xab: {  	_ =	task [dreg:s7], $0x5FFFF  }
0xac: {  	[dreg:$0x1] =	wrdreg $0xFFFFFFFF  }
0xad: {  	[dreg:$0x0] =	wrdreg $0x60  }
0xae: {  	[dreg:$0x2] =	wrdreg s24  }
0xaf: {  	[dreg:$0x3] =	wrdreg s2  }
0xb0: {  	[dreg:$0x4] =	wrdreg $0x1000  }
0xb1: {  	[dreg:$0x5] =	wrdreg $0x9  }
0xb2: {  	_ =	task.clear_ibuf [dreg:s7], $0x6FFFF;
	_ =	strace $0x90000046  }
0xb3: {  	s29 =	simm.s32 $0x9;
	_ =	strace $0x80000048  }
0xb4: {  	_ =	swait.ge [sflag:s29], $0x1  }
0xb5: {  	[sflag:s29] =	ssyncadd.s32 $0xFFFFFFFF  }
0xb6: {  	_ =	strace $0x90000048  }
0xb7: {  	_ =	sfence  }
0xb8: {  	s30 =	sld [smem:$0x0];
	_ =	sdelay $0x2  }
0xb9: {  	s31 =	sshll.u32 s1, $0xD;
	s1 =	sshrl.u32 s1, $0x2  }
0xba: {  	s3 =	sand.u32 $0x4000, s31;
	s1 =	sadd.s32 s1, s30  }
0xbb: {  	s0 =	sor.u32 s3, s0;
	s1 =	sshll.u32 s1, $0x11  }
0xbc: {  	s0 =	sor.u32 s1, s0  }
0xbd: {  	s0 =	sadd.s32 $0x8F2B, s0  }
0xbe: {  	[sflag:s0] =	ssyncadd.remote.s32 $0x1  }
0xbf: {  	_ =	sfence.sel $0xFFFF  }
0xc0: {  	[dreg:$0x0] =	wrdreg $0xFFFFFFFF;
	(pc) =	sbr.abs _section_cstart, $3  }
0xc1: {  	[dreg:$0x1] =	wrdreg $0xFFFFFFFF  }
0xc2: {  	_ =	task.clear_ibuf [dreg:s7], $0x2FFFF;
	_ =	strace $0x9FFFFFFF  }
0xc3: {  	(tm) =	ssettm $0x7FFFFFFF  }
tec
execute0_lowered:
.L_overlay_start_1:
0x0: {  	(tag) =	ssettag $0x1  }
0x1: {  	s5 =	rddreg [dreg:$0x0]  }
0x2: {  	s7 =	rddreg [dreg:$0x1]  }
0x3: {  	s1 =	rddreg [dreg:$0x2]  }
0x4: {  	s2 =	srdreg.scid;
	s0 =	rddreg [dreg:$0x3]  }
0x5: {  	s3 =	simm.s32 $0x0;
	s6 =	sand.u32 $0x1, s2;
	s2 =	stileid.u32  }
0x6: {  	s14 =	simm.s32 $0x10;
	[smem:$0x7FF] =	sst s3;
	s4 =	smul.u32 $0x4F00, s6  }
0x7: {  	s15 =	simm.s32 $0x0;
	s8 =	smul.u32 $0x280, s2;
	_ =	strace $0x80000047  }
0x8: {  	s10 =	ssub.s32 $0x2, s6;
	s29 =	smul.u32 $0x500, s2;
	s6 =	sshll.u32 s6, $0x7  }
0x9: {  	s31 =	smul.u32 $0x4F0, s2;
	s13 =	sshll.u32 s2, $0x6;
	s12 =	sshrl.u32 s10, $0x1  }
0xa: {  	s9 =	sadd.s32 s4, s5;
	s4 =	sadd.s32 $0xE200, s5;
	s11 =	sshrl.u32 s8, $0x3  }
0xb: {  	s10 =	ssub.s32 s10, s12;
	s30 =	sadd.s32 s8, s1;
	s12 =	simm.s32 $0x80  }
0xc: {  	s5 =	sadd.s32 s11, s5;
	s11 =	sor.u32 s6, s29;
	s6 =	sor.u32 $0x1C01, s13  }
0xd: {  	s9 =	sadd.s32 s31, s9;
	s8 =	smax.u32 s10, $0x1;
	s10 =	sshrl.u32 s30, $0x3  }
0xe: {  	s13 =	simm.s32 $0x20;
	s5 =	sadd.s32 $0xE400, s5;
	s11 =	sshrl.u32 s11, $0x3  }
0xf: {  	s9 =	sadd.s32 $0x4400, s9;
	s7 =	sadd.s32 s7, s11;
	s11 =	simm.s32 $0x1  }
.LBB2_1:
0x10: {  	[spmem:s10], [sflag:s6] =	dma.local [hbm:s5], $0x50  }
0x11: {  	_ =	swait.ge [sflag:s11], $0x50  }
0x12: {  	[sflag:s11] =	ssyncset.done $0x0  }
0x13: {  	[sflag:s11] =	ssyncadd.s32 $0xFFFFFFB0  }
0x14: {  	[tilespmem:s12], [sflag:$0x1] =	stream.linear.gather [hbm4b:s4+s3], $0x80, $0x38;
	[tilespmem:$0x380] =	vst v63  }
0x15: {  	_ =	swait.ge [sflag:s11], $0x80  }
0x16: {  	[sflag:s11] =	ssyncset.done $0x0  }
0x17: {  	[sflag:s11] =	ssyncadd.s32 $0xFFFFFF80  }
0x18: {  	s16 =	sadd.s32 $0x0, s9;
	[bflag:$0x0] =	sbarrier.arrive $0xFFFF  }
0x19: {  	[tilespmem:s3], [sflag:$0x1] =	stream.linear.gather [hbm4b:s16+s3], $0x80, $0x38;
	[tilespmem:$0x380] =	vst v63  }
0x1a: {  	_ =	swait.ge [sflag:s11], $0x80  }
0x1b: {  	[sflag:s11] =	ssyncset.done $0x0  }
0x1c: {  	[sflag:s11] =	ssyncadd.s32 $0xFFFFFF80  }
0x1d: {  	[spmem:s1] =	stream.indirect.scatter.add.f32 [tilespmem:s12], [sflag:$0x1], $0x1, s3, s12, $0xb8;
	[tilespmem:$0x380] =	vst v63  }
0x1e: {  	_ =	swait.ge [sflag:s11], $0x80  }
0x1f: {  	s17 =	simm.s32 $0x20;
	s16 =	simm.s32 $0x10;
	[sflag:s11] =	ssyncset.done $0x0  }
.LBB2_2:
0x20: {  	s18 =	sadd.s32 s16, s9  }
0x21: {  	[sflag:s11] =	ssyncadd.s32 $0xFFFFFF80;
	s16 =	smov.u32 s17;
	s19 =	sadd.s32 $0x10, s17  }
0x22: {  	[tilespmem:s3], [sflag:$0x1] =	stream.linear.gather [hbm4b:s18+s3], $0x80, $0x38;
	[tilespmem:$0x380] =	vst v63  }
0x23: {  	p0 =	sne.s32 s17, $0x4E0;
	_ =	swait.ge [sflag:s11], $0x80  }
.Ltmp0:
0x24: {  	[sflag:s11] =	ssyncset.done $0x0;
	(pc) =	sbr.rel @p0 .LBB2_2-.Ltmp0, $4  }
0x25: {  	[sflag:s11] =	ssyncadd.s32 $0xFFFFFF80  }
0x26: {  	[spmem:s1] =	stream.indirect.scatter.add.f32 [tilespmem:s12], [sflag:$0x1], $0x1, s3, s12, $0xb8;
	[tilespmem:$0x380] =	vst v63  }
0x27: {  	_ =	swait.ge [sflag:s11], $0x80  }
0x28: {  	s17 =	smov.u32 s19;
	[sflag:s11] =	ssyncset.done $0x0  }
0x29: {  	s16 =	sadd.s32 s16, s9;
	[sflag:s11] =	ssyncadd.s32 $0xFFFFFF80  }
0x2a: {  	[tilespmem:s3], [sflag:$0x1] =	stream.linear.gather [hbm4b:s16+s3], $0x80, $0x38;
	[tilespmem:$0x380] =	vst v63  }
0x2b: {  	_ =	swait.ge [sflag:s11], $0x80  }
0x2c: {  	[sflag:s11] =	ssyncset.done $0x0  }
0x2d: {  	[sflag:s11] =	ssyncadd.s32 $0xFFFFFF80  }
0x2e: {  	[spmem:s1] =	stream.indirect.scatter.add.f32 [tilespmem:s12], [sflag:$0x1], $0x1, s3, s12, $0xb8;
	[tilespmem:$0x380] =	vst v63  }
0x2f: {  	_ =	swait.ge [sflag:s11], $0x80  }
0x30: {  	s15 =	sadd.s32 $0x1, s15;
	[sflag:s11] =	ssyncset.done $0x0  }
0x31: {  	p0 =	sne.s32 s15, s8;
	[sflag:s11] =	ssyncadd.s32 $0xFFFFFF80  }
.Ltmp1:
0x32: {  	[bflag:$0x0] =	sbarrier.arrive $0xFFFF;
	(pc) =	sbr.rel @p0 .LBB2_1-.Ltmp1, $4  }
0x33: {  	[hbm:s7@s13], [sflag:s6] =	dma.strided [spmem:s10@s14], $0x50, s11, $0x10   }
0x34: {  	_ =	swait.ge [sflag:s11], $0x50  }
0x35: {  	[sflag:s11] =	ssyncset.done $0x0  }
0x36: {  	[sflag:s11] =	ssyncadd.s32 $0xFFFFFFB0  }
0x37: {  	_ =	sfence.sel $0x180000  }
0x38: {  	[bflag:$0x0] =	sbarrier.arrive $0xFFFF  }
0x39: {  	p0 =	sne.s32 s2, $0x0;
	_ =	strace $0x90000047  }
0x3a: {  	s0 =	sadd.s32 @!p0 $0x100000, s0;
	[bflag:$0x2] =	sbarrier.arrive $0xFFFF  }
0x3b: {  	[sflag:s0] =	ssyncadd.tile.s32 @!p0 $0x1;
	_ =	shalt  }
.Lfunc_end2:
_tile_overlayer_lowered:
.L_overlay_start_2:
0x3c: {  	(tag) =	ssettag $0x2  }
0x3d: {  	s0 =	rddreg [dreg:$0x0];
	s2 =	stileid.u32  }
0x3e: {  	s1 =	rddreg [dreg:$0x1];
	p0 =	sne.s32 s2, $0x0  }
0x3f: {  	s3 =	rddreg [dreg:$0x2];
	[bflag:$0x3] =	sbarrier.arrive $0xFFFF;
	s2 =	simm.s32 @!p0 $0x1C01  }
0x40: {  	[timem:s3], [sflag:s2] =	dma.local @!p0 [hbm:s0], s1  }
0x41: {  	s0 =	simm.s32 @!p0 $0x1  }
0x42: {  	_ =	swait.ge @!p0 [sflag:s0], s1  }
0x43: {  	s1 =	ssub.s32 @!p0 $0x0, s1;
	[sflag:s0] =	ssyncset.done @!p0 $0x0  }
0x44: {  	[sflag:s0] =	ssyncadd.s32 @!p0 s1  }
0x45: {  	[bflag:$0x3] =	sbarrier.arrive $0xFFFF  }
0x46: {  	_ =	shalt  }

// kernel: kernel.13.cloned.1.call-start
scs
__scs_entry_jumppad:
0x0: {  	(pc) =	sbr.rel $0x88, $3  }
0x1: {  	(tag) =	ssettag $0x0;
	lr =	simm.s32 $0x1  }
0x2: {  	[smem:$0x3F92] =	sst lr;
	_ =	strace $0xD0000000  }
0x3: {  	_ = 	snop  }
0x4: {  	_ = 	snop  }
0x5: {  	_ = 	snop  }
0x6: {  	_ = 	snop  }
0x7: {  	_ = 	snop  }
__scs_overlays_trampoline_lowered:
0x8: {  	[smem:$0x3FA1] =	sst s0  }
0x9: {  	[smem:$0x3FA2] =	sst s1  }
0xa: {  	[smem:$0x3FA3] =	sst s2  }
0xb: {  	[smem:$0x3FA4] =	sst s3  }
0xc: {  	[smem:$0x3FA5] =	sst s4  }
0xd: {  	[smem:$0x3FA6] =	sst s5  }
0xe: {  	[smem:$0x3FA7] =	sst s6  }
0xf: {  	[smem:$0x3FA8] =	sst s7  }
0x10: {  	[smem:$0x3FA9] =	sst s8  }
0x11: {  	[smem:$0x3FAA] =	sst s9;
	s0 =	simm.s32 @!p0 $0x0  }
0x12: {  	s1 =	sld [smem:$0x3F90];
	s0 =	simm.s32 @p0 $0x1  }
0x13: {  	[smem:$0x3FAB] =	sst s0;
	s0 =	simm.s32 @!p1 $0x0  }
0x14: {  	s2 =	sld [smem:$0x3F8F];
	s0 =	simm.s32 @p1 $0x1  }
0x15: {  	[smem:$0x3FAC] =	sst s0;
	s0 =	simm.s32 @!p2 $0x0  }
0x16: {  	s3 =	sld [smem:$0x3FDB];
	s0 =	simm.s32 @p2 $0x1  }
0x17: {  	s4 =	simm.s32 $0x1BF5;
	[smem:$0x3FAE] =	sst s0  }
0x18: {  	s0 =	sld [smem:$0x3F91];
	_ =	swait.ge [sflag:s4], $0x0  }
0x19: {  	s7 =	sld [smem:$0x3F92]  }
0x1a: {  	s8 =	sadd.s32 $0xFFFFE003, lr  }
0x1b: {  	s9 =	sadd.s32 $0xFFFFFEF7, lr;
	s5 =	simm.s32 $0xFFFFFFFF;
	p2 =	slt.u32 s8, $0xFFFFF086  }
0x1c: {  	p1 =	slt.u32 s9, $0xF7A;
	s5 =	simm.s32 @!p2 $0x0  }
0x1d: {  	s5 =	simm.s32 @p1 $0x1;
	p0 =	seq.s32 s7, s2  }
0x1e: {  	s7 =	smul.u32 @!p0 $0xF7A, s2;
	p2 =	seq.s32 @!p0 s5, $0x0  }
0x1f: {  	s9 =	smul.u32 $0xF7A, s1;
	s8 =	simm.s32 @!p0 $0x1BF5;
	p2 =	por !p2, p0  }
0x20: {  	[sflag:s8] =	ssyncset.s32 @!p0 $0xFFFFF086;
	s6 =	sadd.s32 @!p0 s3, s7;
	s7 =	simm.s32 @!p0 $0x108  }
0x21: {  	s3 =	sadd.s32 s3, s9;
	s6 =	sadd.s32 @!p0 $0x88, s6;
	s7 =	simm.s32 @p2 $0x1082  }
0x22: {  	[simem:s7], [sflag:s8] =	dma.local @!p0 [hbm:s6], $0xF7A  }
0x23: {  	s9 =	sor.u32 $0xD0000000, s2;
	s6 =	simm.s32 $0x108;
	_ =	swait.ge @!p0 [sflag:s8], $0x0  }
0x24: {  	s3 =	sadd.s32 $0x88, s3;
	s6 =	simm.s32 @!p1 $0x1082;
	[sflag:s4] =	ssyncset.s32 $0xFFFFF086  }
0x25: {  	[simem:s6], [sflag:s4] =	dma.local [hbm:s3], $0xF7A  }
0x26: {  	[smem:$0x3F92] =	sst s1;
	(tag) =	ssettag s2;
	_ =	strace s9  }
0x27: {  	s1 =	sld [smem:$0x3FA2]  }
0x28: {  	s2 =	sld [smem:$0x3FA3]  }
0x29: {  	s4 =	sld [smem:$0x3FA5]  }
0x2a: {  	p0 =	seq.s32 s5, $0x0;
	s5 =	sld [smem:$0x3FA6]  }
0x2b: {  	s6 =	sld [smem:$0x3FA7]  }
0x2c: {  	s7 =	sld [smem:$0x3FA8]  }
0x2d: {  	s3 =	simm.s32 $0x108;
	s8 =	sld [smem:$0x3FA9]  }
0x2e: {  	s3 =	simm.s32 @!p0 $0x1082;
	s9 =	sld [smem:$0x3FAA]  }
0x2f: {  	lr =	sadd.s32 s0, s3;
	s0 =	sld [smem:$0x3FA1]  }
0x30: {  	s3 =	sld [smem:$0x3FA4]  }
0x31: {  	[smem:$0x3FAD] =	sst s10  }
0x32: {  	s10 =	sld [smem:$0x3FAB];
	_ =	sdelay $0x3  }
0x33: {  	p0 =	seq.s32 s10, $0x1;
	s10 =	sld [smem:$0x3FAD];
	_ =	sdelay $0x3  }
0x34: {  	[smem:$0x3FAD] =	sst s10  }
0x35: {  	s10 =	sld [smem:$0x3FAC];
	_ =	sdelay $0x3  }
0x36: {  	p1 =	seq.s32 s10, $0x1;
	s10 =	sld [smem:$0x3FAD];
	_ =	sdelay $0x3  }
0x37: {  	[smem:$0x3FAD] =	sst s10  }
0x38: {  	s10 =	sld [smem:$0x3FAE]  }
0x39: {  	_ = 	snop;
	(pc) =	sbr.ind lr, $3  }
0x3a: {  	_ = 	snop  }
0x3b: {  	_ = 	snop  }
0x3c: {  	p2 =	seq.s32 s10, $0x1;
	s10 =	sld [smem:$0x3FAD]  }
0x3d: {  	_ =	shalt  }
0x3e: {  	_ =	shalt  }
0x3f: {  	_ =	shalt  }
0x40: {  	_ =	shalt  }
0x41: {  	_ =	shalt  }
0x42: {  	_ =	shalt  }
0x43: {  	_ =	shalt  }
0x44: {  	_ =	shalt  }
0x45: {  	_ =	shalt  }
0x46: {  	_ =	shalt  }
0x47: {  	_ =	shalt  }
0x48: {  	_ =	shalt  }
0x49: {  	_ =	shalt  }
0x4a: {  	_ =	shalt  }
0x4b: {  	_ =	shalt  }
0x4c: {  	_ =	shalt  }
0x4d: {  	_ =	shalt  }
0x4e: {  	_ =	shalt  }
0x4f: {  	_ =	shalt  }
0x50: {  	_ =	shalt  }
0x51: {  	_ =	shalt  }
0x52: {  	_ =	shalt  }
0x53: {  	_ =	shalt  }
0x54: {  	_ =	shalt  }
0x55: {  	_ =	shalt  }
0x56: {  	_ =	shalt  }
0x57: {  	_ =	shalt  }
0x58: {  	_ =	shalt  }
0x59: {  	_ =	shalt  }
0x5a: {  	_ =	shalt  }
0x5b: {  	_ =	shalt  }
0x5c: {  	_ =	shalt  }
0x5d: {  	_ =	shalt  }
0x5e: {  	_ =	shalt  }
0x5f: {  	_ =	shalt  }
0x60: {  	_ =	shalt  }
0x61: {  	_ =	shalt  }
0x62: {  	_ =	shalt  }
0x63: {  	_ =	shalt  }
0x64: {  	_ =	shalt  }
0x65: {  	_ =	shalt  }
0x66: {  	_ =	shalt  }
0x67: {  	_ =	shalt  }
0x68: {  	_ =	shalt  }
0x69: {  	_ =	shalt  }
0x6a: {  	_ =	shalt  }
0x6b: {  	_ =	shalt  }
0x6c: {  	_ =	shalt  }
0x6d: {  	_ =	shalt  }
0x6e: {  	_ =	shalt  }
0x6f: {  	_ =	shalt  }
0x70: {  	_ =	shalt  }
0x71: {  	_ =	shalt  }
0x72: {  	_ =	shalt  }
0x73: {  	_ =	shalt  }
0x74: {  	_ =	shalt  }
0x75: {  	_ =	shalt  }
0x76: {  	_ =	shalt  }
0x77: {  	_ =	shalt  }
0x78: {  	_ =	shalt  }
0x79: {  	_ =	shalt  }
0x7a: {  	_ =	shalt  }
0x7b: {  	_ =	shalt  }
0x7c: {  	_ =	shalt  }
0x7d: {  	_ =	shalt  }
0x7e: {  	_ =	shalt  }
0x7f: {  	_ =	shalt  }
0x80: {  	_ =	shalt  }
0x81: {  	_ =	shalt  }
0x82: {  	_ =	shalt  }
0x83: {  	_ =	shalt  }
0x84: {  	_ =	shalt  }
0x85: {  	_ =	shalt  }
0x86: {  	_ =	shalt  }
0x87: {  	_ =	shalt  }
.Lfunc_end0:
.L_simem_size_0:
called_computation.1_lowered:
.L_overlay_start_0:
0x88: {  	s2 =	sld [smem:$0x3FD9]  }
0x89: {  	s3 =	sld [smem:$0x3FFE];
	_ =	sdelay $0x1  }
0x8a: {  	s1 =	srdreg.scid  }
0x8b: {  	s0 =	sand.u32 $0x1, s1  }
0x8c: {  	s16 =	sshll.u32 s0, $0xA;
	s2 =	sadd.s32 s3, s2  }
0x8d: {  	s2 =	sadd.s32 s2, s16  }
0x8e: {  	[smem:$0x3FB9] =	sst s2  }
0x8f: {  	_ = 	snop  }
0x90: {  	(tm) =	ssettm $0x1  }
0x91: {  	s17 =	sld [smem:$0x3FFB];
	_ =	sdelay $0x3  }
0x92: {  	_ =	strace s17  }
0x93: {  	s2 =	sld [smem:$0x3FFC];
	_ =	sdelay $0x3  }
0x94: {  	_ =	strace s2  }
0x95: {  	s2 =	sld [smem:$0x3FFD];
	_ =	sdelay $0x3  }
0x96: {  	_ =	strace s2  }
0x97: {  	_ =	strace $0x8FFFFFFF  }
0x98: {  	s18 =	sld [smem:$0x3FDB];
	_ =	sdelay $0x1  }
0x99: {  	s19 =	simm.s32 $_scs_section_size  }
0x9a: {  	s4 =	simm.s32 $_size__tile_overlayer_lowered;
	s5 =	simm.s32 $_tile_overlayer_lowered  }
0x9b: {  	s22 =	simm.s32 $0x1BFF;
	s21 =	sshll.u32 s5, $0x1;
	s2 =	sadd.s32 s19, s18  }
0x9c: {  	s6 =	simm.s32 $0x0;
	s20 =	sshll.u32 s4, $0x1;
	s4 =	sadd.s32 s21, s2  }
0x9d: {  	[timem:s6], [sflag:s22] =	dma.local [hbm:s4], s20  }
0x9e: {  	_ =	swait.ge [sflag:s22], s20  }
0x9f: {  	s3 =	ssub.s32 $0x0, s20;
	[sflag:s22] =	ssyncset.done $0x0  }
0xa0: {  	[sflag:s22] =	ssyncadd.s32 s3;
	_ =	sdelay $0x1  }
0xa1: {  	s23 =	simm.s32 $0x1B8B  }
0xa2: {  	_ =	swait.ge [sflag:s23], $0x1  }
0xa3: {  	[sflag:s23] =	ssyncset.done $0x0  }
0xa4: {  	s25 =	simm.s32 $0x1B8E;
	s24 =	sld [smem:$0x3FFE];
	[sflag:s23] =	ssyncadd.s32 $0xFFFFFFFF  }
0xa5: {  	s26 =	simm.s32 $execute0_lowered;
	[smem:$0x3FD2] =	sst s25  }
0xa6: {  	s4 =	sshll.u32 s26, $0x1;
	_ =	strace $0x80000049;
	[dreg:$0x1] =	wrdreg $0xFFFFFFFF  }
0xa7: {  	s28 =	simm.s32 $_size_execute0_lowered;
	s2 =	sadd.s32 s2, s4;
	[dreg:$0x0] =	wrdreg $0x0  }
0xa8: {  	s4 =	sshll.u32 s28, $0x1;
	[dreg:$0x2] =	wrdreg s2  }
0xa9: {  	[dreg:$0x3] =	wrdreg s4  }
0xaa: {  	[dreg:$0x4] =	wrdreg $0xC0  }
0xab: {  	_ =	task [dreg:s6], $0x5FFFF  }
0xac: {  	[dreg:$0x1] =	wrdreg $0xFFFFFFFF  }
0xad: {  	[dreg:$0x0] =	wrdreg $0x60  }
0xae: {  	[dreg:$0x2] =	wrdreg s24  }
0xaf: {  	[dreg:$0x3] =	wrdreg $0x41000  }
0xb0: {  	[dreg:$0x4] =	wrdreg $0x9  }
0xb1: {  	_ =	task.clear_ibuf [dreg:s6], $0x5FFFF;
	_ =	strace $0x90000049  }
0xb2: {  	s29 =	simm.s32 $0x9;
	_ =	strace $0x8000004B  }
0xb3: {  	_ =	swait.ge [sflag:s29], $0x1  }
0xb4: {  	[sflag:s29] =	ssyncadd.s32 $0xFFFFFFFF  }
0xb5: {  	_ =	strace $0x9000004B  }
0xb6: {  	_ =	sfence  }
0xb7: {  	s30 =	sld [smem:$0x0];
	_ =	sdelay $0x2  }
0xb8: {  	s31 =	sshll.u32 s1, $0xD;
	s1 =	sshrl.u32 s1, $0x2  }
0xb9: {  	s3 =	sand.u32 $0x4000, s31;
	s1 =	sadd.s32 s1, s30  }
0xba: {  	s0 =	sor.u32 s3, s0;
	s1 =	sshll.u32 s1, $0x11  }
0xbb: {  	s0 =	sor.u32 s1, s0  }
0xbc: {  	s0 =	sadd.s32 $0x8F2B, s0  }
0xbd: {  	[sflag:s0] =	ssyncadd.remote.s32 $0x1  }
0xbe: {  	_ =	sfence.sel $0xFFFF  }
0xbf: {  	[dreg:$0x0] =	wrdreg $0xFFFFFFFF;
	(pc) =	sbr.abs _section_cstart, $3  }
0xc0: {  	[dreg:$0x1] =	wrdreg $0xFFFFFFFF  }
0xc1: {  	_ =	task.clear_ibuf [dreg:s6], $0x2FFFF;
	_ =	strace $0x9FFFFFFF  }
0xc2: {  	(tm) =	ssettm $0x7FFFFFFF  }
0xc3: {  	_ =	shalt  }
tec
execute0_lowered:
.L_overlay_start_1:
0x0: {  	(tag) =	ssettag $0x1  }
0x1: {  	s5 =	rddreg [dreg:$0x0];
	s2 =	stileid.u32  }
0x2: {  	s0 =	srdreg.scid;
	s8 =	smul.u32 $0x14000, s2  }
0x3: {  	s1 =	rddreg [dreg:$0x1];
	s3 =	simm.s32 $0x0;
	s10 =	smul.u32 $0x50000, s2  }
0x4: {  	s14 =	simm.s32 $0x100;
	s15 =	simm.s32 $0x1;
	s29 =	smul.u32 $0x2800, s2  }
0x5: {  	s6 =	sand.u32 $0x1, s0;
	s0 =	rddreg [dreg:$0x2];
	s13 =	smul.u32 $0x4F0, s2  }
0x6: {  	s16 =	simm.s32 $0x0;
	[smem:$0x7FF] =	sst s3;
	s4 =	smul.u32 $0x4F00, s6  }
0x7: {  	s11 =	sadd.s32 $0x68800, s5;
	s30 =	sshll.u32 s2, $0x6;
	s7 =	smul.u32 $0x140000, s6  }
0x8: {  	_ =	strace $0x8000004A;
	s25 =	ssub.s32 $0x2, s6;
	p0 =	seq.s32 s6, $0x1  }
0x9: {  	s26 =	sshrl.u32 s25, $0x1;
	s28 =	sshrl.u32 s10, $0x2;
	s9 =	sadd.s32 s4, s5  }
0xa: {  	s4 =	sadd.s32 $0x18800, s5;
	s7 =	sadd.s32 s8, s7;
	s12 =	sadd.s32 s28, s1  }
0xb: {  	s7 =	sshrl.u32 s7, $0x3;
	s8 =	smov.u32 s4;
	s31 =	sadd.s32 s13, s9  }
0xc: {  	s13 =	simm.s32 $0x80;
	s5 =	sadd.s32 s7, s5;
	s7 =	ssub.s32 s25, s26  }
0xd: {  	s8 =	smov.u32 @p0 s11;
	s9 =	sadd.s32 $0x4400, s31;
	s10 =	sadd.s32 $0xEA00, s31  }
0xe: {  	s11 =	sshrl.u32 s12, $0x3;
	s12 =	simm.s32 $0x2;
	s5 =	sadd.s32 $0x90800, s5  }
0xf: {  	s6 =	smax.u32 s7, $0x1;
	s7 =	sadd.s32 s8, s29;
	s8 =	sor.u32 $0x1C02, s30  }
.LBB2_1:
0x10: {  	[spmem:s11], [sflag:s8] =	dma.local [hbm:s7], $0x2800  }
0x11: {  	_ =	swait.ge [sflag:s12], $0x2800  }
0x12: {  	[sflag:s12] =	ssyncset.done $0x0  }
0x13: {  	[sflag:s12] =	ssyncadd.s32 $0xFFFFD800  }
0x14: {  	s17 =	sadd.s32 $0x0, s10;
	[bflag:$0x0] =	sbarrier.arrive $0xFFFF  }
0x15: {  	[tilespmem:s3], [sflag:$0x2] =	stream.linear.gather [hbm4b:s17+s3], $0x80, $0x38;
	[tilespmem:$0x18100] =	vst v63  }
0x16: {  	_ =	swait.ge [sflag:s12], $0x80  }
0x17: {  	[sflag:s12] =	ssyncset.done $0x0  }
0x18: {  	s31 =	sadd.s32 $0x0, s9;
	[sflag:s12] =	ssyncadd.s32 $0xFFFFFF80  }
0x19: {  	[tilespmem:s13], [sflag:$0x2] =	stream.linear.gather [hbm4b:s31+s3], $0x80, $0x38;
	[tilespmem:$0x18100] =	vst v63  }
0x1a: {  	_ =	swait.ge [sflag:s12], $0x80  }
0x1b: {  	[sflag:s12] =	ssyncset.done $0x0  }
0x1c: {  	[sflag:s12] =	ssyncadd.s32 $0xFFFFFF80  }
0x1d: {  	[tilespmem:s14], [sflag:$0x1] =	stream.indirect.gather [hbm4b:s4+s13], $0x80, s3, s13, $0xb8;
	[tilespmem:$0x18100] =	vst v63  }
0x1e: {  	_ =	swait.ge [sflag:s15], $0x4000  }
0x1f: {  	[sflag:s15] =	ssyncset.done $0x0  }
0x20: {  	[sflag:s15] =	ssyncadd.s32 $0xFFFFC000  }
0x21: {  	[spmem:s1] =	stream.indirect.scatter.add.f32 [tilespmem:s14], [sflag:$0x2], $0x80, s13, s13, $0xb8;
	[tilespmem:$0x18100] =	vst v63  }
0x22: {  	_ =	swait.ge [sflag:s12], $0x4000  }
0x23: {  	s18 =	simm.s32 $0x20;
	s17 =	simm.s32 $0x10;
	[sflag:s12] =	ssyncset.done $0x0  }
.LBB2_2:
0x24: {  	s19 =	sadd.s32 s17, s10  }
0x25: {  	[sflag:s12] =	ssyncadd.s32 $0xFFFFC000;
	s20 =	smov.u32 s18;
	s21 =	sadd.s32 $0x10, s18  }
0x26: {  	[tilespmem:s3], [sflag:$0x2] =	stream.linear.gather [hbm4b:s19+s3], $0x80, $0x38;
	[tilespmem:$0x18100] =	vst v63  }
0x27: {  	p0 =	sne.s32 s18, $0x4E0;
	_ =	swait.ge [sflag:s12], $0x80  }
0x28: {  	[sflag:s12] =	ssyncset.done $0x0  }
0x29: {  	s18 =	sadd.s32 s17, s9;
	s17 =	smov.u32 s20;
	[sflag:s12] =	ssyncadd.s32 $0xFFFFFF80  }
0x2a: {  	[tilespmem:s13], [sflag:$0x2] =	stream.linear.gather [hbm4b:s18+s3], $0x80, $0x38;
	[tilespmem:$0x18100] =	vst v63  }
0x2b: {  	_ =	swait.ge [sflag:s12], $0x80  }
0x2c: {  	[sflag:s12] =	ssyncset.done $0x0  }
0x2d: {  	[sflag:s12] =	ssyncadd.s32 $0xFFFFFF80  }
0x2e: {  	[tilespmem:s14], [sflag:$0x1] =	stream.indirect.gather [hbm4b:s4+s13], $0x80, s3, s13, $0xb8;
	[tilespmem:$0x18100] =	vst v63  }
0x2f: {  	_ =	swait.ge [sflag:s15], $0x4000  }
.Ltmp0:
0x30: {  	[sflag:s15] =	ssyncset.done $0x0;
	(pc) =	sbr.rel @p0 .LBB2_2-.Ltmp0, $4  }
0x31: {  	[sflag:s15] =	ssyncadd.s32 $0xFFFFC000  }
0x32: {  	[spmem:s1] =	stream.indirect.scatter.add.f32 [tilespmem:s14], [sflag:$0x2], $0x80, s13, s13, $0xb8;
	[tilespmem:$0x18100] =	vst v63  }
0x33: {  	_ =	swait.ge [sflag:s12], $0x4000  }
0x34: {  	s18 =	smov.u32 s21;
	[sflag:s12] =	ssyncset.done $0x0  }
0x35: {  	s18 =	sadd.s32 s17, s10;
	[sflag:s12] =	ssyncadd.s32 $0xFFFFC000  }
0x36: {  	[tilespmem:s3], [sflag:$0x2] =	stream.linear.gather [hbm4b:s18+s3], $0x80, $0x38;
	[tilespmem:$0x18100] =	vst v63  }
0x37: {  	_ =	swait.ge [sflag:s12], $0x80  }
0x38: {  	[sflag:s12] =	ssyncset.done $0x0  }
0x39: {  	s31 =	sadd.s32 s17, s9;
	[sflag:s12] =	ssyncadd.s32 $0xFFFFFF80  }
0x3a: {  	[tilespmem:s13], [sflag:$0x2] =	stream.linear.gather [hbm4b:s31+s3], $0x80, $0x38;
	[tilespmem:$0x18100] =	vst v63  }
0x3b: {  	_ =	swait.ge [sflag:s12], $0x80  }
0x3c: {  	[sflag:s12] =	ssyncset.done $0x0  }
0x3d: {  	[sflag:s12] =	ssyncadd.s32 $0xFFFFFF80  }
0x3e: {  	[tilespmem:s14], [sflag:$0x1] =	stream.indirect.gather [hbm4b:s4+s13], $0x80, s3, s13, $0xb8;
	[tilespmem:$0x18100] =	vst v63  }
0x3f: {  	_ =	swait.ge [sflag:s15], $0x4000  }
0x40: {  	[sflag:s15] =	ssyncset.done $0x0  }
0x41: {  	[sflag:s15] =	ssyncadd.s32 $0xFFFFC000  }
0x42: {  	[spmem:s1] =	stream.indirect.scatter.add.f32 [tilespmem:s14], [sflag:$0x2], $0x80, s13, s13, $0xb8;
	[tilespmem:$0x18100] =	vst v63  }
0x43: {  	_ =	swait.ge [sflag:s12], $0x4000  }
0x44: {  	s16 =	sadd.s32 $0x1, s16;
	[sflag:s12] =	ssyncset.done $0x0  }
0x45: {  	p0 =	sne.s32 s16, s6;
	[sflag:s12] =	ssyncadd.s32 $0xFFFFC000  }
.Ltmp1:
0x46: {  	[bflag:$0x0] =	sbarrier.arrive $0xFFFF;
	(pc) =	sbr.rel @p0 .LBB2_1-.Ltmp1, $4  }
0x47: {  	[hbm:s5], [sflag:s8] =	dma.local [spmem:s11], $0x2800  }
0x48: {  	_ =	swait.ge [sflag:s12], $0x2800  }
0x49: {  	[sflag:s12] =	ssyncset.done $0x0  }
0x4a: {  	[sflag:s12] =	ssyncadd.s32 $0xFFFFD800  }
0x4b: {  	_ =	sfence.sel $0x180000  }
0x4c: {  	[bflag:$0x0] =	sbarrier.arrive $0xFFFF  }
0x4d: {  	p0 =	sne.s32 s2, $0x0;
	_ =	strace $0x9000004A  }
0x4e: {  	s0 =	sadd.s32 @!p0 $0x100000, s0;
	[bflag:$0x2] =	sbarrier.arrive $0xFFFF  }
0x4f: {  	[sflag:s0] =	ssyncadd.tile.s32 @!p0 $0x1;
	_ =	shalt  }
.Lfunc_end2:
_tile_overlayer_lowered:
.L_overlay_start_2:
0x50: {  	(tag) =	ssettag $0x2  }
0x51: {  	s0 =	rddreg [dreg:$0x0];
	s2 =	stileid.u32  }
0x52: {  	s1 =	rddreg [dreg:$0x1];
	p0 =	sne.s32 s2, $0x0  }
0x53: {  	s3 =	rddreg [dreg:$0x2];
	[bflag:$0x3] =	sbarrier.arrive $0xFFFF;
	s2 =	simm.s32 @!p0 $0x1C02  }
0x54: {  	[timem:s3], [sflag:s2] =	dma.local @!p0 [hbm:s0], s1  }
0x55: {  	s0 =	simm.s32 @!p0 $0x2  }
0x56: {  	_ =	swait.ge @!p0 [sflag:s0], s1  }
0x57: {  	s1 =	ssub.s32 @!p0 $0x0, s1;
	[sflag:s0] =	ssyncset.done @!p0 $0x0  }
0x58: {  	[sflag:s0] =	ssyncadd.s32 @!p0 s1  }
0x59: {  	[bflag:$0x3] =	sbarrier.arrive $0xFFFF  }
0x5a: {  	_ =	shalt  }

// kernel: kernel.16.cloned.1.call-start
scs
__scs_entry_jumppad:
0x0: {  	(pc) =	sbr.rel $0x88, $3  }
0x1: {  	(tag) =	ssettag $0x0;
	lr =	simm.s32 $0x1  }
0x2: {  	[smem:$0x3F92] =	sst lr;
	_ =	strace $0xD0000000  }
0x3: {  	_ = 	snop  }
0x4: {  	_ = 	snop  }
0x5: {  	_ = 	snop  }
0x6: {  	_ = 	snop  }
0x7: {  	_ = 	snop  }
__scs_overlays_trampoline_lowered:
0x8: {  	[smem:$0x3FA1] =	sst s0  }
0x9: {  	[smem:$0x3FA2] =	sst s1  }
0xa: {  	[smem:$0x3FA3] =	sst s2  }
0xb: {  	[smem:$0x3FA4] =	sst s3  }
0xc: {  	[smem:$0x3FA5] =	sst s4  }
0xd: {  	[smem:$0x3FA6] =	sst s5  }
0xe: {  	[smem:$0x3FA7] =	sst s6  }
0xf: {  	[smem:$0x3FA8] =	sst s7  }
0x10: {  	[smem:$0x3FA9] =	sst s8  }
0x11: {  	[smem:$0x3FAA] =	sst s9;
	s0 =	simm.s32 @!p0 $0x0  }
0x12: {  	s1 =	sld [smem:$0x3F90];
	s0 =	simm.s32 @p0 $0x1  }
0x13: {  	[smem:$0x3FAB] =	sst s0;
	s0 =	simm.s32 @!p1 $0x0  }
0x14: {  	s2 =	sld [smem:$0x3F8F];
	s0 =	simm.s32 @p1 $0x1  }
0x15: {  	[smem:$0x3FAC] =	sst s0;
	s0 =	simm.s32 @!p2 $0x0  }
0x16: {  	s3 =	sld [smem:$0x3FDB];
	s0 =	simm.s32 @p2 $0x1  }
0x17: {  	s4 =	simm.s32 $0x1BF5;
	[smem:$0x3FAE] =	sst s0  }
0x18: {  	s0 =	sld [smem:$0x3F91];
	_ =	swait.ge [sflag:s4], $0x0  }
0x19: {  	s7 =	sld [smem:$0x3F92]  }
0x1a: {  	s8 =	sadd.s32 $0xFFFFE003, lr  }
0x1b: {  	s9 =	sadd.s32 $0xFFFFFEF7, lr;
	s5 =	simm.s32 $0xFFFFFFFF;
	p2 =	slt.u32 s8, $0xFFFFF086  }
0x1c: {  	p1 =	slt.u32 s9, $0xF7A;
	s5 =	simm.s32 @!p2 $0x0  }
0x1d: {  	s5 =	simm.s32 @p1 $0x1;
	p0 =	seq.s32 s7, s2  }
0x1e: {  	s7 =	smul.u32 @!p0 $0xF7A, s2;
	p2 =	seq.s32 @!p0 s5, $0x0  }
0x1f: {  	s9 =	smul.u32 $0xF7A, s1;
	s8 =	simm.s32 @!p0 $0x1BF5;
	p2 =	por !p2, p0  }
0x20: {  	[sflag:s8] =	ssyncset.s32 @!p0 $0xFFFFF086;
	s6 =	sadd.s32 @!p0 s3, s7;
	s7 =	simm.s32 @!p0 $0x108  }
0x21: {  	s3 =	sadd.s32 s3, s9;
	s6 =	sadd.s32 @!p0 $0x88, s6;
	s7 =	simm.s32 @p2 $0x1082  }
0x22: {  	[simem:s7], [sflag:s8] =	dma.local @!p0 [hbm:s6], $0xF7A  }
0x23: {  	s9 =	sor.u32 $0xD0000000, s2;
	s6 =	simm.s32 $0x108;
	_ =	swait.ge @!p0 [sflag:s8], $0x0  }
0x24: {  	s3 =	sadd.s32 $0x88, s3;
	s6 =	simm.s32 @!p1 $0x1082;
	[sflag:s4] =	ssyncset.s32 $0xFFFFF086  }
0x25: {  	[simem:s6], [sflag:s4] =	dma.local [hbm:s3], $0xF7A  }
0x26: {  	[smem:$0x3F92] =	sst s1;
	(tag) =	ssettag s2;
	_ =	strace s9  }
0x27: {  	s1 =	sld [smem:$0x3FA2]  }
0x28: {  	s2 =	sld [smem:$0x3FA3]  }
0x29: {  	s4 =	sld [smem:$0x3FA5]  }
0x2a: {  	p0 =	seq.s32 s5, $0x0;
	s5 =	sld [smem:$0x3FA6]  }
0x2b: {  	s6 =	sld [smem:$0x3FA7]  }
0x2c: {  	s7 =	sld [smem:$0x3FA8]  }
0x2d: {  	s3 =	simm.s32 $0x108;
	s8 =	sld [smem:$0x3FA9]  }
0x2e: {  	s3 =	simm.s32 @!p0 $0x1082;
	s9 =	sld [smem:$0x3FAA]  }
0x2f: {  	lr =	sadd.s32 s0, s3;
	s0 =	sld [smem:$0x3FA1]  }
0x30: {  	s3 =	sld [smem:$0x3FA4]  }
0x31: {  	[smem:$0x3FAD] =	sst s10  }
0x32: {  	s10 =	sld [smem:$0x3FAB];
	_ =	sdelay $0x3  }
0x33: {  	p0 =	seq.s32 s10, $0x1;
	s10 =	sld [smem:$0x3FAD];
	_ =	sdelay $0x3  }
0x34: {  	[smem:$0x3FAD] =	sst s10  }
0x35: {  	s10 =	sld [smem:$0x3FAC];
	_ =	sdelay $0x3  }
0x36: {  	p1 =	seq.s32 s10, $0x1;
	s10 =	sld [smem:$0x3FAD];
	_ =	sdelay $0x3  }
0x37: {  	[smem:$0x3FAD] =	sst s10  }
0x38: {  	s10 =	sld [smem:$0x3FAE]  }
0x39: {  	_ = 	snop;
	(pc) =	sbr.ind lr, $3  }
0x3a: {  	_ = 	snop  }
0x3b: {  	_ = 	snop  }
0x3c: {  	p2 =	seq.s32 s10, $0x1;
	s10 =	sld [smem:$0x3FAD]  }
0x3d: {  	_ =	shalt  }
0x3e: {  	_ =	shalt  }
0x3f: {  	_ =	shalt  }
0x40: {  	_ =	shalt  }
0x41: {  	_ =	shalt  }
0x42: {  	_ =	shalt  }
0x43: {  	_ =	shalt  }
0x44: {  	_ =	shalt  }
0x45: {  	_ =	shalt  }
0x46: {  	_ =	shalt  }
0x47: {  	_ =	shalt  }
0x48: {  	_ =	shalt  }
0x49: {  	_ =	shalt  }
0x4a: {  	_ =	shalt  }
0x4b: {  	_ =	shalt  }
0x4c: {  	_ =	shalt  }
0x4d: {  	_ =	shalt  }
0x4e: {  	_ =	shalt  }
0x4f: {  	_ =	shalt  }
0x50: {  	_ =	shalt  }
0x51: {  	_ =	shalt  }
0x52: {  	_ =	shalt  }
0x53: {  	_ =	shalt  }
0x54: {  	_ =	shalt  }
0x55: {  	_ =	shalt  }
0x56: {  	_ =	shalt  }
0x57: {  	_ =	shalt  }
0x58: {  	_ =	shalt  }
0x59: {  	_ =	shalt  }
0x5a: {  	_ =	shalt  }
0x5b: {  	_ =	shalt  }
0x5c: {  	_ =	shalt  }
0x5d: {  	_ =	shalt  }
0x5e: {  	_ =	shalt  }
0x5f: {  	_ =	shalt  }
0x60: {  	_ =	shalt  }
0x61: {  	_ =	shalt  }
0x62: {  	_ =	shalt  }
0x63: {  	_ =	shalt  }
0x64: {  	_ =	shalt  }
0x65: {  	_ =	shalt  }
0x66: {  	_ =	shalt  }
0x67: {  	_ =	shalt  }
0x68: {  	_ =	shalt  }
0x69: {  	_ =	shalt  }
0x6a: {  	_ =	shalt  }
0x6b: {  	_ =	shalt  }
0x6c: {  	_ =	shalt  }
0x6d: {  	_ =	shalt  }
0x6e: {  	_ =	shalt  }
0x6f: {  	_ =	shalt  }
0x70: {  	_ =	shalt  }
0x71: {  	_ =	shalt  }
0x72: {  	_ =	shalt  }
0x73: {  	_ =	shalt  }
0x74: {  	_ =	shalt  }
0x75: {  	_ =	shalt  }
0x76: {  	_ =	shalt  }
0x77: {  	_ =	shalt  }
0x78: {  	_ =	shalt  }
0x79: {  	_ =	shalt  }
0x7a: {  	_ =	shalt  }
0x7b: {  	_ =	shalt  }
0x7c: {  	_ =	shalt  }
0x7d: {  	_ =	shalt  }
0x7e: {  	_ =	shalt  }
0x7f: {  	_ =	shalt  }
0x80: {  	_ =	shalt  }
0x81: {  	_ =	shalt  }
0x82: {  	_ =	shalt  }
0x83: {  	_ =	shalt  }
0x84: {  	_ =	shalt  }
0x85: {  	_ =	shalt  }
0x86: {  	_ =	shalt  }
0x87: {  	_ =	shalt  }
.Lfunc_end0:
.L_simem_size_0:
called_computation.2_lowered:
.L_overlay_start_0:
0x88: {  	s2 =	sld [smem:$0x3FD9]  }
0x89: {  	s3 =	sld [smem:$0x3FFE];
	_ =	sdelay $0x1  }
0x8a: {  	s1 =	srdreg.scid  }
0x8b: {  	s0 =	sand.u32 $0x1, s1  }
0x8c: {  	s16 =	sshll.u32 s0, $0xA;
	s2 =	sadd.s32 s3, s2  }
0x8d: {  	s2 =	sadd.s32 s2, s16  }
0x8e: {  	[smem:$0x3FB9] =	sst s2  }
0x8f: {  	_ = 	snop  }
0x90: {  	(tm) =	ssettm $0x1  }
0x91: {  	s17 =	sld [smem:$0x3FFB];
	_ =	sdelay $0x3  }
0x92: {  	_ =	strace s17  }
0x93: {  	s2 =	sld [smem:$0x3FFC];
	_ =	sdelay $0x3  }
0x94: {  	_ =	strace s2  }
0x95: {  	s2 =	sld [smem:$0x3FFD];
	_ =	sdelay $0x3  }
0x96: {  	_ =	strace s2  }
0x97: {  	_ =	strace $0x8FFFFFFF  }
0x98: {  	s18 =	sld [smem:$0x3FDB];
	_ =	sdelay $0x1  }
0x99: {  	s19 =	simm.s32 $_scs_section_size  }
0x9a: {  	s4 =	simm.s32 $_size__tile_overlayer_lowered;
	s5 =	simm.s32 $_tile_overlayer_lowered  }
0x9b: {  	s22 =	simm.s32 $0x1BFF;
	s21 =	sshll.u32 s5, $0x1;
	s2 =	sadd.s32 s19, s18  }
0x9c: {  	s6 =	simm.s32 $0x0;
	s20 =	sshll.u32 s4, $0x1;
	s4 =	sadd.s32 s21, s2  }
0x9d: {  	[timem:s6], [sflag:s22] =	dma.local [hbm:s4], s20  }
0x9e: {  	_ =	swait.ge [sflag:s22], s20  }
0x9f: {  	s3 =	ssub.s32 $0x0, s20;
	[sflag:s22] =	ssyncset.done $0x0  }
0xa0: {  	[sflag:s22] =	ssyncadd.s32 s3;
	_ =	sdelay $0x1  }
0xa1: {  	s23 =	simm.s32 $0x1B8B  }
0xa2: {  	_ =	swait.ge [sflag:s23], $0x1  }
0xa3: {  	[sflag:s23] =	ssyncset.done $0x0  }
0xa4: {  	s25 =	simm.s32 $0x1B8E;
	s24 =	sld [smem:$0x3FFE];
	[sflag:s23] =	ssyncadd.s32 $0xFFFFFFFF  }
0xa5: {  	s26 =	simm.s32 $execute0_lowered;
	[smem:$0x3FD2] =	sst s25  }
0xa6: {  	s4 =	sshll.u32 s26, $0x1;
	_ =	strace $0x8000004C;
	[dreg:$0x1] =	wrdreg $0xFFFFFFFF  }
0xa7: {  	s28 =	simm.s32 $_size_execute0_lowered;
	s2 =	sadd.s32 s2, s4;
	[dreg:$0x0] =	wrdreg $0x0  }
0xa8: {  	s4 =	sshll.u32 s28, $0x1;
	[dreg:$0x2] =	wrdreg s2  }
0xa9: {  	[dreg:$0x3] =	wrdreg s4  }
0xaa: {  	[dreg:$0x4] =	wrdreg $0xC0  }
0xab: {  	_ =	task [dreg:s6], $0x5FFFF  }
0xac: {  	[dreg:$0x1] =	wrdreg $0xFFFFFFFF  }
0xad: {  	[dreg:$0x0] =	wrdreg $0x60  }
0xae: {  	[dreg:$0x2] =	wrdreg s24  }
0xaf: {  	[dreg:$0x3] =	wrdreg $0x41000  }
0xb0: {  	[dreg:$0x4] =	wrdreg $0x9  }
0xb1: {  	_ =	task.clear_ibuf [dreg:s6], $0x5FFFF;
	_ =	strace $0x9000004C  }
0xb2: {  	s29 =	simm.s32 $0x9;
	_ =	strace $0x8000004E  }
0xb3: {  	_ =	swait.ge [sflag:s29], $0x1  }
0xb4: {  	[sflag:s29] =	ssyncadd.s32 $0xFFFFFFFF  }
0xb5: {  	_ =	strace $0x9000004E  }
0xb6: {  	_ =	sfence  }
0xb7: {  	s30 =	sld [smem:$0x0];
	_ =	sdelay $0x2  }
0xb8: {  	s31 =	sshll.u32 s1, $0xD;
	s1 =	sshrl.u32 s1, $0x2  }
0xb9: {  	s3 =	sand.u32 $0x4000, s31;
	s1 =	sadd.s32 s1, s30  }
0xba: {  	s0 =	sor.u32 s3, s0;
	s1 =	sshll.u32 s1, $0x11  }
0xbb: {  	s0 =	sor.u32 s1, s0  }
0xbc: {  	s0 =	sadd.s32 $0x8F2B, s0  }
0xbd: {  	[sflag:s0] =	ssyncadd.remote.s32 $0x1  }
0xbe: {  	_ =	sfence.sel $0xFFFF  }
0xbf: {  	[dreg:$0x0] =	wrdreg $0xFFFFFFFF;
	(pc) =	sbr.abs _section_cstart, $3  }
0xc0: {  	[dreg:$0x1] =	wrdreg $0xFFFFFFFF  }
0xc1: {  	_ =	task.clear_ibuf [dreg:s6], $0x2FFFF;
	_ =	strace $0x9FFFFFFF  }
0xc2: {  	(tm) =	ssettm $0x7FFFFFFF  }
0xc3: {  	_ =	shalt  }
tec
execute0_lowered:
.L_overlay_start_1:
0x0: {  	(tag) =	ssettag $0x1  }
0x1: {  	s6 =	rddreg [dreg:$0x0]  }
0x2: {  	s0 =	stileid.u32;
	s1 =	srdreg.scid  }
0x3: {  	s2 =	rddreg [dreg:$0x1];
	s4 =	smul.u32 $0x9E0, s0  }
0x4: {  	s3 =	simm.s32 $0x0;
	s16 =	simm.s32 $0x100;
	s7 =	smul.u32 $0x14000, s0  }
0x5: {  	s17 =	simm.s32 $0x1;
	s18 =	simm.s32 $0x0;
	s8 =	smul.u32 $0x50000, s0  }
0x6: {  	s12 =	sand.u32 $0x1, s1;
	s1 =	rddreg [dreg:$0x2];
	s13 =	smul.u32 $0x2800, s0  }
0x7: {  	[smem:$0x7FF] =	sst s3;
	s31 =	sshll.u32 s0, $0x6;
	s5 =	smul.u32 $0x140000, s12  }
0x8: {  	_ =	strace $0x8000004D;
	s9 =	ssub.s32 $0x2, s12;
	p0 =	sne.s32 s12, $0x0  }
0x9: {  	s12 =	sor.u32 $0x1C02, s31;
	s11 =	sadd.s32 s4, s6;
	s4 =	sadd.s32 $0x18800, s6  }
0xa: {  	s10 =	sshrl.u32 s9, $0x1;
	s8 =	sshrl.u32 s8, $0x2;
	s7 =	sadd.s32 s7, s5  }
.Ltmp0:
0xb: {  	s5 =	sadd.s32 $0x68800, s6;
	s9 =	ssub.s32 s9, s10;
	(pc) =	sbr.rel .LBB2_1-.Ltmp0, $4  }
0xc: {  	s15 =	sadd.s32 s8, s2;
	s10 =	sadd.s32 $0x4400, s11;
	s7 =	sshrl.u32 s7, $0x3  }
0xd: {  	s11 =	sadd.s32 $0xEA00, s11;
	s9 =	smax.u32 s9, $0x1;
	s14 =	sadd.s32 s7, s6  }
0xe: {  	s6 =	sadd.s32 s5, s13;
	s7 =	sadd.s32 s4, s13;
	s13 =	sshrl.u32 s15, $0x3  }
0xf: {  	s15 =	simm.s32 $0x80;
	s8 =	sadd.s32 $0x90800, s14;
	s14 =	simm.s32 $0x2  }
.LBB2_7:
0x10: {  	s20 =	sadd.s32 s19, s11;
	[sflag:s14] =	ssyncadd.s32 $0xFFFFC000  }
0x11: {  	[tilespmem:s3], [sflag:$0x2] =	stream.linear.gather [hbm4b:s20+s3], $0x80, $0x38;
	[tilespmem:$0x18100] =	vst v63  }
0x12: {  	_ =	swait.ge [sflag:s14], $0x80  }
0x13: {  	[sflag:s14] =	ssyncset.done $0x0  }
0x14: {  	s31 =	sadd.s32 s19, s10;
	[sflag:s14] =	ssyncadd.s32 $0xFFFFFF80  }
0x15: {  	[tilespmem:s15], [sflag:$0x2] =	stream.linear.gather [hbm4b:s31+s3], $0x80, $0x38;
	[tilespmem:$0x18100] =	vst v63  }
0x16: {  	_ =	swait.ge [sflag:s14], $0x80  }
0x17: {  	[sflag:s14] =	ssyncset.done $0x0  }
0x18: {  	[sflag:s14] =	ssyncadd.s32 $0xFFFFFF80  }
0x19: {  	[tilespmem:s16], [sflag:$0x1] =	stream.indirect.gather [hbm4b:s5+s15], $0x80, s3, s15, $0xb8;
	[tilespmem:$0x18100] =	vst v63  }
0x1a: {  	_ =	swait.ge [sflag:s17], $0x4000  }
0x1b: {  	[sflag:s17] =	ssyncset.done $0x0  }
0x1c: {  	[sflag:s17] =	ssyncadd.s32 $0xFFFFC000  }
0x1d: {  	[spmem:s2] =	stream.indirect.scatter.add.f32 [tilespmem:s16], [sflag:$0x2], $0x80, s15, s15, $0xb8;
	[tilespmem:$0x18100] =	vst v63  }
0x1e: {  	_ =	swait.ge [sflag:s14], $0x4000  }
0x1f: {  	[sflag:s14] =	ssyncset.done $0x0  }
0x20: {  	[sflag:s14] =	ssyncadd.s32 $0xFFFFC000  }
.LBB2_8:
0x21: {  	s18 =	sadd.s32 $0x1, s18  }
0x22: {  	p1 =	sne.s32 s18, s9  }
.Ltmp1:
0x23: {  	[bflag:$0x0] =	sbarrier.arrive $0xFFFF;
	(pc) =	sbr.rel @!p1 .LBB2_9-.Ltmp1, $4  }
0x24: {  	[hbm:s8], [sflag:s12] =	dma.local [spmem:s13], $0x2800  }
0x25: {  	_ =	swait.ge [sflag:s14], $0x2800  }
0x26: {  	[sflag:s14] =	ssyncset.done $0x0  }
0x27: {  	[sflag:s14] =	ssyncadd.s32 $0xFFFFD800  }
.LBB2_1:
.Ltmp2:
0x28: {  	(pc) =	sbr.rel @p0 .LBB2_5-.Ltmp2, $1  }
0x29: {  	_ =	sdelay $0x3  }
0x2a: {  	[spmem:s13], [sflag:s12] =	dma.local [hbm:s7], $0x2800  }
0x2b: {  	_ =	swait.ge [sflag:s14], $0x2800  }
0x2c: {  	[sflag:s14] =	ssyncset.done $0x0  }
0x2d: {  	[sflag:s14] =	ssyncadd.s32 $0xFFFFD800  }
0x2e: {  	s19 =	sadd.s32 $0x0, s11;
	[bflag:$0x0] =	sbarrier.arrive $0xFFFF  }
0x2f: {  	[tilespmem:s3], [sflag:$0x2] =	stream.linear.gather [hbm4b:s19+s3], $0x80, $0x38;
	[tilespmem:$0x18100] =	vst v63  }
0x30: {  	_ =	swait.ge [sflag:s14], $0x80  }
0x31: {  	[sflag:s14] =	ssyncset.done $0x0  }
0x32: {  	s31 =	sadd.s32 $0x0, s10;
	[sflag:s14] =	ssyncadd.s32 $0xFFFFFF80  }
0x33: {  	[tilespmem:s15], [sflag:$0x2] =	stream.linear.gather [hbm4b:s31+s3], $0x80, $0x38;
	[tilespmem:$0x18100] =	vst v63  }
0x34: {  	_ =	swait.ge [sflag:s14], $0x80  }
0x35: {  	[sflag:s14] =	ssyncset.done $0x0  }
0x36: {  	[sflag:s14] =	ssyncadd.s32 $0xFFFFFF80  }
0x37: {  	[tilespmem:s16], [sflag:$0x1] =	stream.indirect.gather [hbm4b:s4+s15], $0x80, s3, s15, $0xb8;
	[tilespmem:$0x18100] =	vst v63  }
0x38: {  	_ =	swait.ge [sflag:s17], $0x4000  }
0x39: {  	[sflag:s17] =	ssyncset.done $0x0  }
0x3a: {  	[sflag:s17] =	ssyncadd.s32 $0xFFFFC000  }
0x3b: {  	[spmem:s2] =	stream.indirect.scatter.add.f32 [tilespmem:s16], [sflag:$0x2], $0x80, s15, s15, $0xb8;
	[tilespmem:$0x18100] =	vst v63  }
0x3c: {  	_ =	swait.ge [sflag:s14], $0x4000  }
0x3d: {  	s20 =	simm.s32 $0x20;
	s19 =	simm.s32 $0x10;
	[sflag:s14] =	ssyncset.done $0x0  }
.LBB2_3:
0x3e: {  	s21 =	sadd.s32 s19, s11  }
0x3f: {  	[sflag:s14] =	ssyncadd.s32 $0xFFFFC000;
	s22 =	smov.u32 s20;
	s23 =	sadd.s32 $0x10, s20  }
0x40: {  	[tilespmem:s3], [sflag:$0x2] =	stream.linear.gather [hbm4b:s21+s3], $0x80, $0x38;
	[tilespmem:$0x18100] =	vst v63  }
0x41: {  	p1 =	seq.s32 s20, $0x9D0;
	_ =	swait.ge [sflag:s14], $0x80  }
0x42: {  	[sflag:s14] =	ssyncset.done $0x0  }
0x43: {  	s20 =	sadd.s32 s19, s10;
	s19 =	smov.u32 s22;
	[sflag:s14] =	ssyncadd.s32 $0xFFFFFF80  }
0x44: {  	[tilespmem:s15], [sflag:$0x2] =	stream.linear.gather [hbm4b:s20+s3], $0x80, $0x38;
	[tilespmem:$0x18100] =	vst v63  }
0x45: {  	_ =	swait.ge [sflag:s14], $0x80  }
0x46: {  	[sflag:s14] =	ssyncset.done $0x0  }
0x47: {  	[sflag:s14] =	ssyncadd.s32 $0xFFFFFF80  }
0x48: {  	[tilespmem:s16], [sflag:$0x1] =	stream.indirect.gather [hbm4b:s4+s15], $0x80, s3, s15, $0xb8;
	[tilespmem:$0x18100] =	vst v63  }
0x49: {  	_ =	swait.ge [sflag:s17], $0x4000  }
.Ltmp3:
0x4a: {  	[sflag:s17] =	ssyncset.done $0x0;
	(pc) =	sbr.rel @!p1 .LBB2_3-.Ltmp3, $4  }
0x4b: {  	[sflag:s17] =	ssyncadd.s32 $0xFFFFC000  }
0x4c: {  	[spmem:s2] =	stream.indirect.scatter.add.f32 [tilespmem:s16], [sflag:$0x2], $0x80, s15, s15, $0xb8;
	[tilespmem:$0x18100] =	vst v63  }
0x4d: {  	_ =	swait.ge [sflag:s14], $0x4000  }
0x4e: {  	s20 =	smov.u32 s23;
	[sflag:s14] =	ssyncset.done $0x0  }
0x4f: {  	s20 =	sadd.s32 s19, s11;
	[sflag:s14] =	ssyncadd.s32 $0xFFFFC000  }
0x50: {  	[tilespmem:s3], [sflag:$0x2] =	stream.linear.gather [hbm4b:s20+s3], $0x80, $0x38;
	[tilespmem:$0x18100] =	vst v63  }
0x51: {  	_ =	swait.ge [sflag:s14], $0x80  }
0x52: {  	[sflag:s14] =	ssyncset.done $0x0  }
0x53: {  	s31 =	sadd.s32 s19, s10;
	[sflag:s14] =	ssyncadd.s32 $0xFFFFFF80  }
0x54: {  	[tilespmem:s15], [sflag:$0x2] =	stream.linear.gather [hbm4b:s31+s3], $0x80, $0x38;
	[tilespmem:$0x18100] =	vst v63  }
0x55: {  	_ =	swait.ge [sflag:s14], $0x80  }
0x56: {  	[sflag:s14] =	ssyncset.done $0x0  }
0x57: {  	[sflag:s14] =	ssyncadd.s32 $0xFFFFFF80  }
0x58: {  	[tilespmem:s16], [sflag:$0x1] =	stream.indirect.gather [hbm4b:s4+s15], $0x80, s3, s15, $0xb8;
	[tilespmem:$0x18100] =	vst v63  }
0x59: {  	_ =	swait.ge [sflag:s17], $0x4000  }
0x5a: {  	[sflag:s17] =	ssyncset.done $0x0  }
.Ltmp4:
0x5b: {  	[sflag:s17] =	ssyncadd.s32 $0xFFFFC000;
	(pc) =	sbr.rel .LBB2_8-.Ltmp4, $4  }
0x5c: {  	[spmem:s2] =	stream.indirect.scatter.add.f32 [tilespmem:s16], [sflag:$0x2], $0x80, s15, s15, $0xb8;
	[tilespmem:$0x18100] =	vst v63  }
0x5d: {  	_ =	swait.ge [sflag:s14], $0x4000  }
0x5e: {  	[sflag:s14] =	ssyncset.done $0x0  }
0x5f: {  	[sflag:s14] =	ssyncadd.s32 $0xFFFFC000  }
.LBB2_5:
0x60: {  	[spmem:s13], [sflag:s12] =	dma.local [hbm:s6], $0x2800  }
0x61: {  	_ =	swait.ge [sflag:s14], $0x2800  }
0x62: {  	[sflag:s14] =	ssyncset.done $0x0  }
0x63: {  	[sflag:s14] =	ssyncadd.s32 $0xFFFFD800  }
0x64: {  	s19 =	sadd.s32 $0x0, s11;
	[bflag:$0x0] =	sbarrier.arrive $0xFFFF  }
0x65: {  	[tilespmem:s3], [sflag:$0x2] =	stream.linear.gather [hbm4b:s19+s3], $0x80, $0x38;
	[tilespmem:$0x18100] =	vst v63  }
0x66: {  	_ =	swait.ge [sflag:s14], $0x80  }
0x67: {  	[sflag:s14] =	ssyncset.done $0x0  }
0x68: {  	s31 =	sadd.s32 $0x0, s10;
	[sflag:s14] =	ssyncadd.s32 $0xFFFFFF80  }
0x69: {  	[tilespmem:s15], [sflag:$0x2] =	stream.linear.gather [hbm4b:s31+s3], $0x80, $0x38;
	[tilespmem:$0x18100] =	vst v63  }
0x6a: {  	_ =	swait.ge [sflag:s14], $0x80  }
0x6b: {  	[sflag:s14] =	ssyncset.done $0x0  }
0x6c: {  	[sflag:s14] =	ssyncadd.s32 $0xFFFFFF80  }
0x6d: {  	[tilespmem:s16], [sflag:$0x1] =	stream.indirect.gather [hbm4b:s5+s15], $0x80, s3, s15, $0xb8;
	[tilespmem:$0x18100] =	vst v63  }
0x6e: {  	_ =	swait.ge [sflag:s17], $0x4000  }
0x6f: {  	[sflag:s17] =	ssyncset.done $0x0  }
0x70: {  	[sflag:s17] =	ssyncadd.s32 $0xFFFFC000  }
0x71: {  	[spmem:s2] =	stream.indirect.scatter.add.f32 [tilespmem:s16], [sflag:$0x2], $0x80, s15, s15, $0xb8;
	[tilespmem:$0x18100] =	vst v63  }
0x72: {  	_ =	swait.ge [sflag:s14], $0x4000  }
0x73: {  	s20 =	simm.s32 $0x20;
	s19 =	simm.s32 $0x10;
	[sflag:s14] =	ssyncset.done $0x0  }
.LBB2_6:
0x74: {  	s21 =	sadd.s32 s19, s11  }
0x75: {  	[sflag:s14] =	ssyncadd.s32 $0xFFFFC000;
	s22 =	smov.u32 s20;
	s23 =	sadd.s32 $0x10, s20  }
0x76: {  	[tilespmem:s3], [sflag:$0x2] =	stream.linear.gather [hbm4b:s21+s3], $0x80, $0x38;
	[tilespmem:$0x18100] =	vst v63  }
0x77: {  	p1 =	sne.s32 s20, $0x9D0;
	_ =	swait.ge [sflag:s14], $0x80  }
0x78: {  	[sflag:s14] =	ssyncset.done $0x0  }
0x79: {  	s20 =	sadd.s32 s19, s10;
	s19 =	smov.u32 s22;
	[sflag:s14] =	ssyncadd.s32 $0xFFFFFF80  }
0x7a: {  	[tilespmem:s15], [sflag:$0x2] =	stream.linear.gather [hbm4b:s20+s3], $0x80, $0x38;
	[tilespmem:$0x18100] =	vst v63  }
0x7b: {  	_ =	swait.ge [sflag:s14], $0x80  }
0x7c: {  	[sflag:s14] =	ssyncset.done $0x0  }
0x7d: {  	[sflag:s14] =	ssyncadd.s32 $0xFFFFFF80  }
0x7e: {  	[tilespmem:s16], [sflag:$0x1] =	stream.indirect.gather [hbm4b:s5+s15], $0x80, s3, s15, $0xb8;
	[tilespmem:$0x18100] =	vst v63  }
0x7f: {  	_ =	swait.ge [sflag:s17], $0x4000  }
.Ltmp5:
0x80: {  	[sflag:s17] =	ssyncset.done $0x0;
	(pc) =	sbr.rel @p1 .LBB2_6-.Ltmp5, $4  }
0x81: {  	[sflag:s17] =	ssyncadd.s32 $0xFFFFC000  }
0x82: {  	[spmem:s2] =	stream.indirect.scatter.add.f32 [tilespmem:s16], [sflag:$0x2], $0x80, s15, s15, $0xb8;
	[tilespmem:$0x18100] =	vst v63  }
0x83: {  	_ =	swait.ge [sflag:s14], $0x4000  }
0x84: {  	s20 =	smov.u32 s23;
	[sflag:s14] =	ssyncset.done $0x0  }
.Ltmp6:
0x85: {  	_ = 	snop;
	(pc) =	sbr.rel .LBB2_7-.Ltmp6, $1  }
0x86: {  	_ =	sdelay $0x3  }
.LBB2_9:
0x87: {  	_ =	sfence.sel $0x180000  }
0x88: {  	[bflag:$0x0] =	sbarrier.arrive $0xFFFF  }
0x89: {  	p0 =	sne.s32 s0, $0x0;
	_ =	strace $0x9000004D  }
0x8a: {  	s0 =	sadd.s32 @!p0 $0x100000, s1;
	[bflag:$0x2] =	sbarrier.arrive $0xFFFF  }
0x8b: {  	[sflag:s0] =	ssyncadd.tile.s32 @!p0 $0x1;
	_ =	shalt  }
.Lfunc_end2:
_tile_overlayer_lowered:
.L_overlay_start_2:
0x8c: {  	(tag) =	ssettag $0x2  }
0x8d: {  	s0 =	rddreg [dreg:$0x0];
	s2 =	stileid.u32  }
0x8e: {  	s1 =	rddreg [dreg:$0x1];
	p0 =	sne.s32 s2, $0x0  }
0x8f: {  	s3 =	rddreg [dreg:$0x2];
	[bflag:$0x3] =	sbarrier.arrive $0xFFFF;
	s2 =	simm.s32 @!p0 $0x1C02  }
0x90: {  	[timem:s3], [sflag:s2] =	dma.local @!p0 [hbm:s0], s1  }
0x91: {  	s0 =	simm.s32 @!p0 $0x2  }
0x92: {  	_ =	swait.ge @!p0 [sflag:s0], s1  }
0x93: {  	s1 =	ssub.s32 @!p0 $0x0, s1;
	[sflag:s0] =	ssyncset.done @!p0 $0x0  }
0x94: {  	[sflag:s0] =	ssyncadd.s32 @!p0 s1  }
0x95: {  	[bflag:$0x3] =	sbarrier.arrive $0xFFFF  }
0x96: {  	_ =	shalt  }

// kernel: kernel.19.cloned.1.call-start
scs
__scs_entry_jumppad:
0x0: {  	(pc) =	sbr.rel $0x88, $3  }
0x1: {  	(tag) =	ssettag $0x0;
	lr =	simm.s32 $0x1  }
0x2: {  	[smem:$0x3F92] =	sst lr;
	_ =	strace $0xD0000000  }
0x3: {  	_ = 	snop  }
0x4: {  	_ = 	snop  }
0x5: {  	_ = 	snop  }
0x6: {  	_ = 	snop  }
0x7: {  	_ = 	snop  }
__scs_overlays_trampoline_lowered:
0x8: {  	[smem:$0x3FA1] =	sst s0  }
0x9: {  	[smem:$0x3FA2] =	sst s1  }
0xa: {  	[smem:$0x3FA3] =	sst s2  }
0xb: {  	[smem:$0x3FA4] =	sst s3  }
0xc: {  	[smem:$0x3FA5] =	sst s4  }
0xd: {  	[smem:$0x3FA6] =	sst s5  }
0xe: {  	[smem:$0x3FA7] =	sst s6  }
0xf: {  	[smem:$0x3FA8] =	sst s7  }
0x10: {  	[smem:$0x3FA9] =	sst s8  }
0x11: {  	[smem:$0x3FAA] =	sst s9;
	s0 =	simm.s32 @!p0 $0x0  }
0x12: {  	s1 =	sld [smem:$0x3F90];
	s0 =	simm.s32 @p0 $0x1  }
0x13: {  	[smem:$0x3FAB] =	sst s0;
	s0 =	simm.s32 @!p1 $0x0  }
0x14: {  	s2 =	sld [smem:$0x3F8F];
	s0 =	simm.s32 @p1 $0x1  }
0x15: {  	[smem:$0x3FAC] =	sst s0;
	s0 =	simm.s32 @!p2 $0x0  }
0x16: {  	s3 =	sld [smem:$0x3FDB];
	s0 =	simm.s32 @p2 $0x1  }
0x17: {  	s4 =	simm.s32 $0x1BF5;
	[smem:$0x3FAE] =	sst s0  }
0x18: {  	s0 =	sld [smem:$0x3F91];
	_ =	swait.ge [sflag:s4], $0x0  }
0x19: {  	s7 =	sld [smem:$0x3F92]  }
0x1a: {  	s8 =	sadd.s32 $0xFFFFE003, lr  }
0x1b: {  	s9 =	sadd.s32 $0xFFFFFEF7, lr;
	s5 =	simm.s32 $0xFFFFFFFF;
	p2 =	slt.u32 s8, $0xFFFFF086  }
0x1c: {  	p1 =	slt.u32 s9, $0xF7A;
	s5 =	simm.s32 @!p2 $0x0  }
0x1d: {  	s5 =	simm.s32 @p1 $0x1;
	p0 =	seq.s32 s7, s2  }
0x1e: {  	s7 =	smul.u32 @!p0 $0xF7A, s2;
	p2 =	seq.s32 @!p0 s5, $0x0  }
0x1f: {  	s9 =	smul.u32 $0xF7A, s1;
	s8 =	simm.s32 @!p0 $0x1BF5;
	p2 =	por !p2, p0  }
0x20: {  	[sflag:s8] =	ssyncset.s32 @!p0 $0xFFFFF086;
	s6 =	sadd.s32 @!p0 s3, s7;
	s7 =	simm.s32 @!p0 $0x108  }
0x21: {  	s3 =	sadd.s32 s3, s9;
	s6 =	sadd.s32 @!p0 $0x88, s6;
	s7 =	simm.s32 @p2 $0x1082  }
0x22: {  	[simem:s7], [sflag:s8] =	dma.local @!p0 [hbm:s6], $0xF7A  }
0x23: {  	s9 =	sor.u32 $0xD0000000, s2;
	s6 =	simm.s32 $0x108;
	_ =	swait.ge @!p0 [sflag:s8], $0x0  }
0x24: {  	s3 =	sadd.s32 $0x88, s3;
	s6 =	simm.s32 @!p1 $0x1082;
	[sflag:s4] =	ssyncset.s32 $0xFFFFF086  }
0x25: {  	[simem:s6], [sflag:s4] =	dma.local [hbm:s3], $0xF7A  }
0x26: {  	[smem:$0x3F92] =	sst s1;
	(tag) =	ssettag s2;
	_ =	strace s9  }
0x27: {  	s1 =	sld [smem:$0x3FA2]  }
0x28: {  	s2 =	sld [smem:$0x3FA3]  }
0x29: {  	s4 =	sld [smem:$0x3FA5]  }
0x2a: {  	p0 =	seq.s32 s5, $0x0;
	s5 =	sld [smem:$0x3FA6]  }
0x2b: {  	s6 =	sld [smem:$0x3FA7]  }
0x2c: {  	s7 =	sld [smem:$0x3FA8]  }
0x2d: {  	s3 =	simm.s32 $0x108;
	s8 =	sld [smem:$0x3FA9]  }
0x2e: {  	s3 =	simm.s32 @!p0 $0x1082;
	s9 =	sld [smem:$0x3FAA]  }
0x2f: {  	lr =	sadd.s32 s0, s3;
	s0 =	sld [smem:$0x3FA1]  }
0x30: {  	s3 =	sld [smem:$0x3FA4]  }
0x31: {  	[smem:$0x3FAD] =	sst s10  }
0x32: {  	s10 =	sld [smem:$0x3FAB];
	_ =	sdelay $0x3  }
0x33: {  	p0 =	seq.s32 s10, $0x1;
	s10 =	sld [smem:$0x3FAD];
	_ =	sdelay $0x3  }
0x34: {  	[smem:$0x3FAD] =	sst s10  }
0x35: {  	s10 =	sld [smem:$0x3FAC];
	_ =	sdelay $0x3  }
0x36: {  	p1 =	seq.s32 s10, $0x1;
	s10 =	sld [smem:$0x3FAD];
	_ =	sdelay $0x3  }
0x37: {  	[smem:$0x3FAD] =	sst s10  }
0x38: {  	s10 =	sld [smem:$0x3FAE]  }
0x39: {  	_ = 	snop;
	(pc) =	sbr.ind lr, $3  }
0x3a: {  	_ = 	snop  }
0x3b: {  	_ = 	snop  }
0x3c: {  	p2 =	seq.s32 s10, $0x1;
	s10 =	sld [smem:$0x3FAD]  }
0x3d: {  	_ =	shalt  }
0x3e: {  	_ =	shalt  }
0x3f: {  	_ =	shalt  }
0x40: {  	_ =	shalt  }
0x41: {  	_ =	shalt  }
0x42: {  	_ =	shalt  }
0x43: {  	_ =	shalt  }
0x44: {  	_ =	shalt  }
0x45: {  	_ =	shalt  }
0x46: {  	_ =	shalt  }
0x47: {  	_ =	shalt  }
0x48: {  	_ =	shalt  }
0x49: {  	_ =	shalt  }
0x4a: {  	_ =	shalt  }
0x4b: {  	_ =	shalt  }
0x4c: {  	_ =	shalt  }
0x4d: {  	_ =	shalt  }
0x4e: {  	_ =	shalt  }
0x4f: {  	_ =	shalt  }
0x50: {  	_ =	shalt  }
0x51: {  	_ =	shalt  }
0x52: {  	_ =	shalt  }
0x53: {  	_ =	shalt  }
0x54: {  	_ =	shalt  }
0x55: {  	_ =	shalt  }
0x56: {  	_ =	shalt  }
0x57: {  	_ =	shalt  }
0x58: {  	_ =	shalt  }
0x59: {  	_ =	shalt  }
0x5a: {  	_ =	shalt  }
0x5b: {  	_ =	shalt  }
0x5c: {  	_ =	shalt  }
0x5d: {  	_ =	shalt  }
0x5e: {  	_ =	shalt  }
0x5f: {  	_ =	shalt  }
0x60: {  	_ =	shalt  }
0x61: {  	_ =	shalt  }
0x62: {  	_ =	shalt  }
0x63: {  	_ =	shalt  }
0x64: {  	_ =	shalt  }
0x65: {  	_ =	shalt  }
0x66: {  	_ =	shalt  }
0x67: {  	_ =	shalt  }
0x68: {  	_ =	shalt  }
0x69: {  	_ =	shalt  }
0x6a: {  	_ =	shalt  }
0x6b: {  	_ =	shalt  }
0x6c: {  	_ =	shalt  }
0x6d: {  	_ =	shalt  }
0x6e: {  	_ =	shalt  }
0x6f: {  	_ =	shalt  }
0x70: {  	_ =	shalt  }
0x71: {  	_ =	shalt  }
0x72: {  	_ =	shalt  }
0x73: {  	_ =	shalt  }
0x74: {  	_ =	shalt  }
0x75: {  	_ =	shalt  }
0x76: {  	_ =	shalt  }
0x77: {  	_ =	shalt  }
0x78: {  	_ =	shalt  }
0x79: {  	_ =	shalt  }
0x7a: {  	_ =	shalt  }
0x7b: {  	_ =	shalt  }
0x7c: {  	_ =	shalt  }
0x7d: {  	_ =	shalt  }
0x7e: {  	_ =	shalt  }
0x7f: {  	_ =	shalt  }
0x80: {  	_ =	shalt  }
0x81: {  	_ =	shalt  }
0x82: {  	_ =	shalt  }
0x83: {  	_ =	shalt  }
0x84: {  	_ =	shalt  }
0x85: {  	_ =	shalt  }
0x86: {  	_ =	shalt  }
0x87: {  	_ =	shalt  }
.Lfunc_end0:
.L_simem_size_0:
called_computation.3_lowered:
.L_overlay_start_0:
0x88: {  	s2 =	sld [smem:$0x3FD9]  }
0x89: {  	s3 =	sld [smem:$0x3FFE];
	_ =	sdelay $0x1  }
0x8a: {  	s1 =	srdreg.scid  }
0x8b: {  	s0 =	sand.u32 $0x1, s1  }
0x8c: {  	s16 =	sshll.u32 s0, $0xA;
	s2 =	sadd.s32 s3, s2  }
0x8d: {  	s2 =	sadd.s32 s2, s16  }
0x8e: {  	[smem:$0x3FB9] =	sst s2  }
0x8f: {  	_ = 	snop  }
0x90: {  	(tm) =	ssettm $0x1  }
0x91: {  	s17 =	sld [smem:$0x3FFB];
	_ =	sdelay $0x3  }
0x92: {  	_ =	strace s17  }
0x93: {  	s2 =	sld [smem:$0x3FFC];
	_ =	sdelay $0x3  }
0x94: {  	_ =	strace s2  }
0x95: {  	s2 =	sld [smem:$0x3FFD];
	_ =	sdelay $0x3  }
0x96: {  	_ =	strace s2  }
0x97: {  	_ =	strace $0x8FFFFFFF  }
0x98: {  	s18 =	sld [smem:$0x3FDB];
	_ =	sdelay $0x1  }
0x99: {  	s19 =	simm.s32 $_scs_section_size  }
0x9a: {  	s4 =	simm.s32 $_size__tile_overlayer_lowered;
	s5 =	simm.s32 $_tile_overlayer_lowered  }
0x9b: {  	s22 =	simm.s32 $0x1BFF;
	s21 =	sshll.u32 s5, $0x1;
	s2 =	sadd.s32 s19, s18  }
0x9c: {  	s6 =	simm.s32 $0x0;
	s20 =	sshll.u32 s4, $0x1;
	s4 =	sadd.s32 s21, s2  }
0x9d: {  	[timem:s6], [sflag:s22] =	dma.local [hbm:s4], s20  }
0x9e: {  	_ =	swait.ge [sflag:s22], s20  }
0x9f: {  	s3 =	ssub.s32 $0x0, s20;
	[sflag:s22] =	ssyncset.done $0x0  }
0xa0: {  	[sflag:s22] =	ssyncadd.s32 s3;
	_ =	sdelay $0x1  }
0xa1: {  	s23 =	simm.s32 $0x1B8B  }
0xa2: {  	_ =	swait.ge [sflag:s23], $0x1  }
0xa3: {  	[sflag:s23] =	ssyncset.done $0x0  }
0xa4: {  	s25 =	simm.s32 $0x1B8E;
	s24 =	sld [smem:$0x3FFE];
	[sflag:s23] =	ssyncadd.s32 $0xFFFFFFFF  }
0xa5: {  	s26 =	simm.s32 $execute0_lowered;
	[smem:$0x3FD2] =	sst s25  }
0xa6: {  	s4 =	sshll.u32 s26, $0x1;
	_ =	strace $0x8000004F;
	[dreg:$0x1] =	wrdreg $0xFFFFFFFF  }
0xa7: {  	s28 =	simm.s32 $_size_execute0_lowered;
	s2 =	sadd.s32 s2, s4;
	[dreg:$0x0] =	wrdreg $0x0  }
0xa8: {  	s4 =	sshll.u32 s28, $0x1;
	[dreg:$0x2] =	wrdreg s2  }
0xa9: {  	[dreg:$0x3] =	wrdreg s4  }
0xaa: {  	[dreg:$0x4] =	wrdreg $0xC0  }
0xab: {  	_ =	task [dreg:s6], $0x5FFFF  }
0xac: {  	[dreg:$0x1] =	wrdreg $0xFFFFFFFF  }
0xad: {  	[dreg:$0x0] =	wrdreg $0x60  }
0xae: {  	[dreg:$0x2] =	wrdreg s24  }
0xaf: {  	[dreg:$0x3] =	wrdreg $0x9  }
0xb0: {  	_ =	task.clear_ibuf [dreg:s6], $0x4FFFF;
	_ =	strace $0x9000004F  }
0xb1: {  	s29 =	simm.s32 $0x9;
	_ =	strace $0x80000051  }
0xb2: {  	_ =	swait.ge [sflag:s29], $0x1  }
0xb3: {  	[sflag:s29] =	ssyncadd.s32 $0xFFFFFFFF  }
0xb4: {  	_ =	strace $0x90000051  }
0xb5: {  	_ =	sfence  }
0xb6: {  	s30 =	sld [smem:$0x0];
	_ =	sdelay $0x2  }
0xb7: {  	s31 =	sshll.u32 s1, $0xD;
	s1 =	sshrl.u32 s1, $0x2  }
0xb8: {  	s3 =	sand.u32 $0x4000, s31;
	s1 =	sadd.s32 s1, s30  }
0xb9: {  	s0 =	sor.u32 s3, s0;
	s1 =	sshll.u32 s1, $0x11  }
0xba: {  	s0 =	sor.u32 s1, s0  }
0xbb: {  	s0 =	sadd.s32 $0x8F2B, s0  }
0xbc: {  	[sflag:s0] =	ssyncadd.remote.s32 $0x1  }
0xbd: {  	_ =	sfence.sel $0xFFFF  }
0xbe: {  	[dreg:$0x0] =	wrdreg $0xFFFFFFFF;
	(pc) =	sbr.abs _section_cstart, $3  }
0xbf: {  	[dreg:$0x1] =	wrdreg $0xFFFFFFFF  }
0xc0: {  	_ =	task.clear_ibuf [dreg:s6], $0x2FFFF;
	_ =	strace $0x9FFFFFFF  }
0xc1: {  	(tm) =	ssettm $0x7FFFFFFF  }
tec
execute0_lowered:
.L_overlay_start_1:
0x0: {  	(tag) =	ssettag $0x1  }
0x1: {  	s7 =	rddreg [dreg:$0x0]  }
0x2: {  	s0 =	rddreg [dreg:$0x1];
	s2 =	simm.s32 $0x0;
	s1 =	stileid.u32  }
0x3: {  	s4 =	srdreg.scid;
	s13 =	simm.s32 $0x80;
	s14 =	simm.s32 $0x100  }
0x4: {  	s15 =	simm.s32 $0x1;
	s16 =	simm.s32 $0x0;
	[smem:$0x7FF] =	sst s2  }
0x5: {  	s3 =	smul.u32 $0x9E0, s1;
	s8 =	sand.u32 $0x1, s4;
	s4 =	sadd.s32 $0x40800, s7  }
0x6: {  	s11 =	smul.u32 $0x4F000, s1;
	s5 =	sadd.s32 $0x68800, s7;
	s6 =	sadd.s32 $0x90800, s7  }
.Ltmp0:
0x7: {  	_ =	strace $0x80000050;
	s9 =	ssub.s32 $0x2, s8;
	(pc) =	sbr.rel .LBB2_1-.Ltmp0, $4  }
0x8: {  	p0 =	seq.s32 s8, $0x1;
	s10 =	sadd.s32 s3, s7;
	s12 =	sshrl.u32 s9, $0x1  }
0x9: {  	s3 =	sadd.s32 $0x18800, s7;
	s11 =	sadd.s32 s11, s7;
	s9 =	ssub.s32 s9, s12  }
0xa: {  	s8 =	sadd.s32 $0xB8800, s11;
	s11 =	sadd.s32 $0x5A8800, s11;
	s12 =	simm.s32 $0x2  }
0xb: {  	s7 =	smax.u32 s9, $0x1;
	s9 =	sadd.s32 $0x4400, s10;
	s10 =	sadd.s32 $0xEA00, s10  }
.LBB2_7:
0xc: {  	s19 =	sadd.s32 s18, s10;
	[sflag:s12] =	ssyncadd.s32 $0xFFFFC000  }
0xd: {  	[tilespmem:s2], [sflag:$0x2] =	stream.linear.gather [hbm4b:s19+s2], $0x80, $0x38;
	[tilespmem:$0x4100] =	vst v63  }
0xe: {  	_ =	swait.ge [sflag:s12], $0x80  }
0xf: {  	[sflag:s12] =	ssyncset.done $0x0  }
0x10: {  	s31 =	sadd.s32 s18, s9;
	[sflag:s12] =	ssyncadd.s32 $0xFFFFFF80  }
0x11: {  	[tilespmem:s13], [sflag:$0x2] =	stream.linear.gather [hbm4b:s31+s2], $0x80, $0x38;
	[tilespmem:$0x4100] =	vst v63  }
0x12: {  	_ =	swait.ge [sflag:s12], $0x80  }
0x13: {  	[sflag:s12] =	ssyncset.done $0x0  }
0x14: {  	[sflag:s12] =	ssyncadd.s32 $0xFFFFFF80  }
0x15: {  	[tilespmem:s14], [sflag:$0x1] =	stream.indirect.gather [hbm4b:s4+s13], $0x80, s2, s13, $0xb8;
	[tilespmem:$0x4100] =	vst v63  }
0x16: {  	_ =	swait.ge [sflag:s15], $0x4000  }
0x17: {  	[sflag:s15] =	ssyncset.done $0x0  }
0x18: {  	[sflag:s15] =	ssyncadd.s32 $0xFFFFC000  }
0x19: {  	[tilespmem:s14], [sflag:$0x1] =	stream.indirect.gather.add.f32 [hbm:s6], $0x80, s13, s13, $0xb8;
	[tilespmem:$0x4100] =	vst v63  }
0x1a: {  	_ =	swait.ge [sflag:s15], $0x4000  }
0x1b: {  	[sflag:s15] =	ssyncset.done $0x0  }
0x1c: {  	[sflag:s15] =	ssyncadd.s32 $0xFFFFC000  }
0x1d: {  	[hbm4b:s17+s2] =	stream.linear.scatter [tilespmem:s14], [sflag:$0x2], $0x4000, $0x38;
	[tilespmem:$0x4100] =	vst v63  }
0x1e: {  	_ =	swait.ge [sflag:s12], $0x4000  }
0x1f: {  	[sflag:s12] =	ssyncset.done $0x0  }
0x20: {  	[sflag:s12] =	ssyncadd.s32 $0xFFFFC000  }
.LBB2_8:
0x21: {  	s16 =	sadd.s32 $0x1, s16  }
0x22: {  	p1 =	sne.s32 s16, s7  }
.Ltmp1:
0x23: {  	_ = 	snop;
	(pc) =	sbr.rel @!p1 .LBB2_9-.Ltmp1, $1  }
0x24: {  	_ =	sdelay $0x3  }
.LBB2_1:
.Ltmp2:
0x25: {  	(pc) =	sbr.rel @!p0 .LBB2_2-.Ltmp2, $2  }
0x26: {  	_ =	sdelay $0x2  }
0x27: {  	s17 =	sadd.s32 $0x0, s10  }
0x28: {  	[tilespmem:s2], [sflag:$0x2] =	stream.linear.gather [hbm4b:s17+s2], $0x80, $0x38;
	[tilespmem:$0x4100] =	vst v63  }
0x29: {  	_ =	swait.ge [sflag:s12], $0x80  }
0x2a: {  	[sflag:s12] =	ssyncset.done $0x0  }
0x2b: {  	s31 =	sadd.s32 $0x0, s9;
	[sflag:s12] =	ssyncadd.s32 $0xFFFFFF80  }
0x2c: {  	[tilespmem:s13], [sflag:$0x2] =	stream.linear.gather [hbm4b:s31+s2], $0x80, $0x38;
	[tilespmem:$0x4100] =	vst v63  }
0x2d: {  	_ =	swait.ge [sflag:s12], $0x80  }
0x2e: {  	[sflag:s12] =	ssyncset.done $0x0  }
0x2f: {  	[sflag:s12] =	ssyncadd.s32 $0xFFFFFF80  }
0x30: {  	[tilespmem:s14], [sflag:$0x1] =	stream.indirect.gather [hbm4b:s4+s13], $0x80, s2, s13, $0xb8;
	[tilespmem:$0x4100] =	vst v63  }
0x31: {  	_ =	swait.ge [sflag:s15], $0x4000  }
0x32: {  	[sflag:s15] =	ssyncset.done $0x0  }
0x33: {  	[sflag:s15] =	ssyncadd.s32 $0xFFFFC000  }
0x34: {  	[tilespmem:s14], [sflag:$0x1] =	stream.indirect.gather.add.f32 [hbm:s6], $0x80, s13, s13, $0xb8;
	[tilespmem:$0x4100] =	vst v63  }
0x35: {  	_ =	swait.ge [sflag:s15], $0x4000  }
0x36: {  	[sflag:s15] =	ssyncset.done $0x0  }
0x37: {  	[sflag:s15] =	ssyncadd.s32 $0xFFFFC000  }
0x38: {  	[hbm4b:s11+s2] =	stream.linear.scatter [tilespmem:s14], [sflag:$0x2], $0x4000, $0x38;
	[tilespmem:$0x4100] =	vst v63  }
0x39: {  	s18 =	simm.s32 $0x10;
	_ =	swait.ge [sflag:s12], $0x4000  }
0x3a: {  	s19 =	simm.s32 $0x20;
	s17 =	sadd.s32 $0x800, s11;
	[sflag:s12] =	ssyncset.done $0x0  }
.LBB2_6:
0x3b: {  	s20 =	sadd.s32 s18, s10  }
0x3c: {  	[sflag:s12] =	ssyncadd.s32 $0xFFFFC000;
	s21 =	smov.u32 s19;
	s22 =	sadd.s32 $0x10, s19  }
0x3d: {  	[tilespmem:s2], [sflag:$0x2] =	stream.linear.gather [hbm4b:s20+s2], $0x80, $0x38;
	[tilespmem:$0x4100] =	vst v63  }
0x3e: {  	p1 =	sne.s32 s19, $0x9D0;
	_ =	swait.ge [sflag:s12], $0x80  }
0x3f: {  	[sflag:s12] =	ssyncset.done $0x0  }
0x40: {  	s19 =	sadd.s32 s18, s9;
	s18 =	smov.u32 s21;
	[sflag:s12] =	ssyncadd.s32 $0xFFFFFF80  }
0x41: {  	[tilespmem:s13], [sflag:$0x2] =	stream.linear.gather [hbm4b:s19+s2], $0x80, $0x38;
	[tilespmem:$0x4100] =	vst v63  }
0x42: {  	_ =	swait.ge [sflag:s12], $0x80  }
0x43: {  	[sflag:s12] =	ssyncset.done $0x0  }
0x44: {  	[sflag:s12] =	ssyncadd.s32 $0xFFFFFF80  }
0x45: {  	[tilespmem:s14], [sflag:$0x1] =	stream.indirect.gather [hbm4b:s4+s13], $0x80, s2, s13, $0xb8;
	[tilespmem:$0x4100] =	vst v63  }
0x46: {  	_ =	swait.ge [sflag:s15], $0x4000  }
0x47: {  	[sflag:s15] =	ssyncset.done $0x0  }
0x48: {  	[sflag:s15] =	ssyncadd.s32 $0xFFFFC000  }
0x49: {  	[tilespmem:s14], [sflag:$0x1] =	stream.indirect.gather.add.f32 [hbm:s6], $0x80, s13, s13, $0xb8;
	[tilespmem:$0x4100] =	vst v63  }
0x4a: {  	_ =	swait.ge [sflag:s15], $0x4000  }
.Ltmp3:
0x4b: {  	[sflag:s15] =	ssyncset.done $0x0;
	(pc) =	sbr.rel @p1 .LBB2_6-.Ltmp3, $4  }
0x4c: {  	[sflag:s15] =	ssyncadd.s32 $0xFFFFC000  }
0x4d: {  	[hbm4b:s17+s2] =	stream.linear.scatter [tilespmem:s14], [sflag:$0x2], $0x4000, $0x38;
	[tilespmem:$0x4100] =	vst v63  }
0x4e: {  	_ =	swait.ge [sflag:s12], $0x4000  }
0x4f: {  	s19 =	smov.u32 s22;
	s17 =	sadd.s32 $0x800, s17;
	[sflag:s12] =	ssyncset.done $0x0  }
.Ltmp4:
0x50: {  	_ = 	snop;
	(pc) =	sbr.rel .LBB2_7-.Ltmp4, $1  }
0x51: {  	_ =	sdelay $0x3  }
.LBB2_2:
0x52: {  	[tilespmem:s2], [sflag:$0x2] =	stream.linear.gather [hbm4b:s17+s2], $0x80, $0x38;
	[tilespmem:$0x4100] =	vst v63  }
0x53: {  	_ =	swait.ge [sflag:s12], $0x80  }
0x54: {  	[sflag:s12] =	ssyncset.done $0x0  }
0x55: {  	s31 =	sadd.s32 $0x0, s9;
	[sflag:s12] =	ssyncadd.s32 $0xFFFFFF80  }
0x56: {  	[tilespmem:s13], [sflag:$0x2] =	stream.linear.gather [hbm4b:s31+s2], $0x80, $0x38;
	[tilespmem:$0x4100] =	vst v63  }
0x57: {  	_ =	swait.ge [sflag:s12], $0x80  }
0x58: {  	[sflag:s12] =	ssyncset.done $0x0  }
0x59: {  	[sflag:s12] =	ssyncadd.s32 $0xFFFFFF80  }
0x5a: {  	[tilespmem:s14], [sflag:$0x1] =	stream.indirect.gather [hbm4b:s3+s13], $0x80, s2, s13, $0xb8;
	[tilespmem:$0x4100] =	vst v63  }
0x5b: {  	_ =	swait.ge [sflag:s15], $0x4000  }
0x5c: {  	[sflag:s15] =	ssyncset.done $0x0  }
0x5d: {  	[sflag:s15] =	ssyncadd.s32 $0xFFFFC000  }
0x5e: {  	[tilespmem:s14], [sflag:$0x1] =	stream.indirect.gather.add.f32 [hbm:s5], $0x80, s13, s13, $0xb8;
	[tilespmem:$0x4100] =	vst v63  }
0x5f: {  	_ =	swait.ge [sflag:s15], $0x4000  }
0x60: {  	[sflag:s15] =	ssyncset.done $0x0  }
0x61: {  	[sflag:s15] =	ssyncadd.s32 $0xFFFFC000  }
0x62: {  	[hbm4b:s8+s2] =	stream.linear.scatter [tilespmem:s14], [sflag:$0x2], $0x4000, $0x38;
	[tilespmem:$0x4100] =	vst v63  }
0x63: {  	s18 =	simm.s32 $0x10;
	_ =	swait.ge [sflag:s12], $0x4000  }
0x64: {  	s19 =	simm.s32 $0x20;
	s17 =	sadd.s32 $0x800, s8;
	[sflag:s12] =	ssyncset.done $0x0  }
.LBB2_3:
0x65: {  	s20 =	sadd.s32 s18, s10  }
0x66: {  	[sflag:s12] =	ssyncadd.s32 $0xFFFFC000;
	s21 =	smov.u32 s19;
	s22 =	sadd.s32 $0x10, s19  }
0x67: {  	[tilespmem:s2], [sflag:$0x2] =	stream.linear.gather [hbm4b:s20+s2], $0x80, $0x38;
	[tilespmem:$0x4100] =	vst v63  }
0x68: {  	p1 =	seq.s32 s19, $0x9D0;
	_ =	swait.ge [sflag:s12], $0x80  }
0x69: {  	[sflag:s12] =	ssyncset.done $0x0  }
0x6a: {  	s19 =	sadd.s32 s18, s9;
	s18 =	smov.u32 s21;
	[sflag:s12] =	ssyncadd.s32 $0xFFFFFF80  }
0x6b: {  	[tilespmem:s13], [sflag:$0x2] =	stream.linear.gather [hbm4b:s19+s2], $0x80, $0x38;
	[tilespmem:$0x4100] =	vst v63  }
0x6c: {  	_ =	swait.ge [sflag:s12], $0x80  }
0x6d: {  	[sflag:s12] =	ssyncset.done $0x0  }
0x6e: {  	[sflag:s12] =	ssyncadd.s32 $0xFFFFFF80  }
0x6f: {  	[tilespmem:s14], [sflag:$0x1] =	stream.indirect.gather [hbm4b:s3+s13], $0x80, s2, s13, $0xb8;
	[tilespmem:$0x4100] =	vst v63  }
0x70: {  	_ =	swait.ge [sflag:s15], $0x4000  }
0x71: {  	[sflag:s15] =	ssyncset.done $0x0  }
0x72: {  	[sflag:s15] =	ssyncadd.s32 $0xFFFFC000  }
0x73: {  	[tilespmem:s14], [sflag:$0x1] =	stream.indirect.gather.add.f32 [hbm:s5], $0x80, s13, s13, $0xb8;
	[tilespmem:$0x4100] =	vst v63  }
0x74: {  	_ =	swait.ge [sflag:s15], $0x4000  }
.Ltmp5:
0x75: {  	[sflag:s15] =	ssyncset.done $0x0;
	(pc) =	sbr.rel @!p1 .LBB2_3-.Ltmp5, $4  }
0x76: {  	[sflag:s15] =	ssyncadd.s32 $0xFFFFC000  }
0x77: {  	[hbm4b:s17+s2] =	stream.linear.scatter [tilespmem:s14], [sflag:$0x2], $0x4000, $0x38;
	[tilespmem:$0x4100] =	vst v63  }
0x78: {  	_ =	swait.ge [sflag:s12], $0x4000  }
0x79: {  	s19 =	smov.u32 s22;
	s17 =	sadd.s32 $0x800, s17;
	[sflag:s12] =	ssyncset.done $0x0  }
0x7a: {  	s19 =	sadd.s32 s18, s10;
	[sflag:s12] =	ssyncadd.s32 $0xFFFFC000  }
0x7b: {  	[tilespmem:s2], [sflag:$0x2] =	stream.linear.gather [hbm4b:s19+s2], $0x80, $0x38;
	[tilespmem:$0x4100] =	vst v63  }
0x7c: {  	_ =	swait.ge [sflag:s12], $0x80  }
0x7d: {  	[sflag:s12] =	ssyncset.done $0x0  }
0x7e: {  	s31 =	sadd.s32 s18, s9;
	[sflag:s12] =	ssyncadd.s32 $0xFFFFFF80  }
0x7f: {  	[tilespmem:s13], [sflag:$0x2] =	stream.linear.gather [hbm4b:s31+s2], $0x80, $0x38;
	[tilespmem:$0x4100] =	vst v63  }
0x80: {  	_ =	swait.ge [sflag:s12], $0x80  }
0x81: {  	[sflag:s12] =	ssyncset.done $0x0  }
0x82: {  	[sflag:s12] =	ssyncadd.s32 $0xFFFFFF80  }
0x83: {  	[tilespmem:s14], [sflag:$0x1] =	stream.indirect.gather [hbm4b:s3+s13], $0x80, s2, s13, $0xb8;
	[tilespmem:$0x4100] =	vst v63  }
0x84: {  	_ =	swait.ge [sflag:s15], $0x4000  }
0x85: {  	[sflag:s15] =	ssyncset.done $0x0  }
0x86: {  	[sflag:s15] =	ssyncadd.s32 $0xFFFFC000  }
0x87: {  	[tilespmem:s14], [sflag:$0x1] =	stream.indirect.gather.add.f32 [hbm:s5], $0x80, s13, s13, $0xb8;
	[tilespmem:$0x4100] =	vst v63  }
0x88: {  	_ =	swait.ge [sflag:s15], $0x4000  }
0x89: {  	[sflag:s15] =	ssyncset.done $0x0  }
.Ltmp6:
0x8a: {  	[sflag:s15] =	ssyncadd.s32 $0xFFFFC000;
	(pc) =	sbr.rel .LBB2_8-.Ltmp6, $4  }
0x8b: {  	[hbm4b:s17+s2] =	stream.linear.scatter [tilespmem:s14], [sflag:$0x2], $0x4000, $0x38;
	[tilespmem:$0x4100] =	vst v63  }
0x8c: {  	_ =	swait.ge [sflag:s12], $0x4000  }
0x8d: {  	[sflag:s12] =	ssyncset.done $0x0  }
0x8e: {  	[sflag:s12] =	ssyncadd.s32 $0xFFFFC000  }
.LBB2_9:
0x8f: {  	_ =	sfence.sel $0x180000  }
0x90: {  	[bflag:$0x0] =	sbarrier.arrive $0xFFFF  }
0x91: {  	p0 =	sne.s32 s1, $0x0;
	_ =	strace $0x90000050  }
0x92: {  	s0 =	sadd.s32 @!p0 $0x100000, s0;
	[bflag:$0x2] =	sbarrier.arrive $0xFFFF  }
0x93: {  	[sflag:s0] =	ssyncadd.tile.s32 @!p0 $0x1;
	_ =	shalt  }
.Lfunc_end2:
_tile_overlayer_lowered:
.L_overlay_start_2:
0x94: {  	(tag) =	ssettag $0x2  }
0x95: {  	s0 =	rddreg [dreg:$0x0];
	s2 =	stileid.u32  }
0x96: {  	s1 =	rddreg [dreg:$0x1];
	p0 =	sne.s32 s2, $0x0  }
0x97: {  	s3 =	rddreg [dreg:$0x2];
	[bflag:$0x3] =	sbarrier.arrive $0xFFFF;
	s2 =	simm.s32 @!p0 $0x1C02  }
0x98: {  	[timem:s3], [sflag:s2] =	dma.local @!p0 [hbm:s0], s1  }
0x99: {  	s0 =	simm.s32 @!p0 $0x2  }
0x9a: {  	_ =	swait.ge @!p0 [sflag:s0], s1  }
0x9b: {  	s1 =	ssub.s32 @!p0 $0x0, s1;
	[sflag:s0] =	ssyncset.done @!p0 $0x0  }
0x9c: {  	[sflag:s0] =	ssyncadd.s32 @!p0 s1  }
0x9d: {  	[bflag:$0x3] =	sbarrier.arrive $0xFFFF  }
0x9e: {  	_ =	shalt  }

</sc_bundles>
